<compile_context>
chip_gen: v7x
topology: tpu7x:2x2x1
jax: 0.10.2.dev20260603
libtpu: 0.0.44.dev20260713+nightly
codegen_flags: <defaults>
</compile_context>

<pallas_src>
import functools

import jax
import jax.numpy as jnp
from jax import lax
from jax.experimental import pallas as pl
from jax.experimental.pallas import tpu as pltpu
from jax.experimental.pallas import tpu_sc as plsc

NC = 2
NS = 16
NW = NC * NS
CHUNK = 80
RING = 5
NODE_BLK = 1024


def _edge_pass(n_pad, h, e):
  epw = e // NW
  nchunk = epw // CHUNK
  rpt = n_pad // NS
  mesh = plsc.VectorSubcoreMesh(core_axis_name="c", subcore_axis_name="s")

  @functools.partial(
      pl.kernel,
      mesh=mesh,
      out_type=jax.ShapeDtypeStruct((NC, n_pad, h), jnp.float32),
      scratch_types=[
          pltpu.VMEM((nchunk, CHUNK), jnp.int32),
          pltpu.VMEM((nchunk, CHUNK), jnp.int32),
          [pltpu.VMEM((CHUNK, h), jnp.float32) for _ in range(RING)],
          pltpu.VMEM_SHARED((n_pad, h), jnp.float32),
          [pltpu.SemaphoreType.DMA for _ in range(RING)],
      ],
      compiler_params=pltpu.CompilerParams(use_tc_tiling_on_sc=False),
  )
  def body(table_hbm, src_hbm, dst_hbm, zeros_hbm, out_hbm,
           sidx, didx, rows, acc, sems):
    cid = lax.axis_index("c")
    sid = lax.axis_index("s")
    wid = sid * NC + cid
    pltpu.sync_copy(src_hbm.at[wid], sidx)
    pltpu.sync_copy(dst_hbm.at[wid], didx)
    pltpu.sync_copy(zeros_hbm.at[pl.ds(sid * rpt, rpt)],
                    acc.at[pl.ds(sid * rpt, rpt)])
    plsc.subcore_barrier()

    def step(i, carry):
      c = RING * i
      descs = [
          pltpu.async_copy(table_hbm.at[sidx.at[c + b]], rows[b], sems[b])
          for b in range(RING)
      ]
      for b in range(RING):
        descs[b].wait()
        pltpu.sync_copy(rows[b], acc.at[didx.at[c + b]], add=True)
      return carry

    lax.fori_loop(0, nchunk // RING, step, 0)
    plsc.subcore_barrier()
    pltpu.sync_copy(acc.at[pl.ds(sid * rpt, rpt)],
                    out_hbm.at[cid, pl.ds(sid * rpt, rpt)])

  return body


def _deg_pass(n_pad, e):
  epw = e // NW
  nchunk = epw // CHUNK
  rpt = n_pad // NS
  mesh = plsc.VectorSubcoreMesh(core_axis_name="c", subcore_axis_name="s")

  @functools.partial(
      pl.kernel,
      mesh=mesh,
      out_type=jax.ShapeDtypeStruct((NC, n_pad), jnp.float32),
      scratch_types=[
          pltpu.VMEM((nchunk, CHUNK), jnp.int32),
          pltpu.VMEM((CHUNK,), jnp.float32),
          pltpu.VMEM_SHARED((n_pad,), jnp.float32),
      ],
      compiler_params=pltpu.CompilerParams(use_tc_tiling_on_sc=False),
  )
  def body(dst_hbm, zeros_hbm, out_hbm, didx, ones, acc):
    cid = lax.axis_index("c")
    sid = lax.axis_index("s")
    wid = sid * NC + cid
    for k in range(CHUNK // 16):
      ones[pl.ds(k * 16, 16)] = jnp.full((16,), 1.0, jnp.float32)
    pltpu.sync_copy(dst_hbm.at[wid], didx)
    pltpu.sync_copy(zeros_hbm.at[pl.ds(sid * rpt, rpt)],
                    acc.at[pl.ds(sid * rpt, rpt)])
    plsc.subcore_barrier()

    def step(c, carry):
      pltpu.sync_copy(ones, acc.at[didx.at[c]], add=True)
      return carry

    lax.fori_loop(0, nchunk, step, 0)
    plsc.subcore_barrier()
    pltpu.sync_copy(acc.at[pl.ds(sid * rpt, rpt)],
                    out_hbm.at[cid, pl.ds(sid * rpt, rpt)])

  return body


def _tc_matmul(n_pad, d, h):
  nblk = n_pad // NODE_BLK

  def body(x_ref, w_ref, h_ref):
    h_ref[...] = jnp.dot(
        x_ref[...], w_ref[...], preferred_element_type=jnp.float32)

  return pl.pallas_call(
      body,
      grid=(nblk,),
      in_specs=[
          pl.BlockSpec((NODE_BLK, d), lambda i: (i, 0)),
          pl.BlockSpec((d, h), lambda i: (0, 0)),
      ],
      out_specs=pl.BlockSpec((NODE_BLK, h), lambda i: (i, 0)),
      out_shape=jax.ShapeDtypeStruct((n_pad, h), jnp.float32),
  )


def _tc_scale(n_pad, h):
  nblk = n_pad // NODE_BLK

  def body(h_ref, dp_ref, hs_ref, dinv_ref):
    deg = dp_ref[0] + dp_ref[1] + 1.0
    dinv = lax.rsqrt(jnp.maximum(deg, 1.0))
    dcol = jnp.transpose(dinv.reshape(1, -1), (1, 0))
    hs_ref[...] = h_ref[...] * dcol
    dinv_ref[...] = dcol

  return pl.pallas_call(
      body,
      grid=(nblk,),
      in_specs=[
          pl.BlockSpec((NODE_BLK, h), lambda i: (i, 0)),
          pl.BlockSpec((NC, NODE_BLK), lambda i: (0, i)),
      ],
      out_specs=[
          pl.BlockSpec((NODE_BLK, h), lambda i: (i, 0)),
          pl.BlockSpec((NODE_BLK, 1), lambda i: (i, 0)),
      ],
      out_shape=[
          jax.ShapeDtypeStruct((n_pad, h), jnp.float32),
          jax.ShapeDtypeStruct((n_pad, 1), jnp.float32),
      ],
  )


def _tc_mid(n_pad, h, out_w):
  nblk = n_pad // NODE_BLK

  def body(q_ref, hs_ref, dinv_ref, w_ref, out_ref):
    acc = q_ref[0] + q_ref[1] + hs_ref[...]
    h1 = jnp.maximum(acc * dinv_ref[...], 0.0)
    out_ref[...] = jnp.dot(
        h1, w_ref[...], preferred_element_type=jnp.float32) * dinv_ref[...]

  return pl.pallas_call(
      body,
      grid=(nblk,),
      in_specs=[
          pl.BlockSpec((NC, NODE_BLK, h), lambda i: (0, i, 0)),
          pl.BlockSpec((NODE_BLK, h), lambda i: (i, 0)),
          pl.BlockSpec((NODE_BLK, 1), lambda i: (i, 0)),
          pl.BlockSpec((h, out_w), lambda i: (0, 0)),
      ],
      out_specs=pl.BlockSpec((NODE_BLK, out_w), lambda i: (i, 0)),
      out_shape=jax.ShapeDtypeStruct((n_pad, out_w), jnp.float32),
  )


def _tc_final(n_pad, h):
  nblk = n_pad // NODE_BLK

  def body(r_ref, hs_ref, dinv_ref, out_ref):
    out_ref[...] = (r_ref[0] + r_ref[1] + hs_ref[...]) * dinv_ref[...]

  return pl.pallas_call(
      body,
      grid=(nblk,),
      in_specs=[
          pl.BlockSpec((NC, NODE_BLK, h), lambda i: (0, i, 0)),
          pl.BlockSpec((NODE_BLK, h), lambda i: (i, 0)),
          pl.BlockSpec((NODE_BLK, 1), lambda i: (i, 0)),
      ],
      out_specs=pl.BlockSpec((NODE_BLK, h), lambda i: (i, 0)),
      out_shape=jax.ShapeDtypeStruct((n_pad, h), jnp.float32),
  )


def kernel(features, edge_index, W1, W2):
  n, d = features.shape
  e = edge_index.shape[1]
  h = W1.shape[1]
  out_w = W2.shape[1]
  n_pad = ((n + NODE_BLK - 1) // NODE_BLK) * NODE_BLK

  x = jnp.zeros((n_pad, d), jnp.float32).at[:n].set(features)
  grain = NW * CHUNK * RING
  e_pad = ((e + grain - 1) // grain) * grain
  pad = e_pad - e
  nchunk = e_pad // (NW * CHUNK)
  src1, dst1 = edge_index[0], edge_index[1]
  if pad:
    pad_src = jnp.arange(pad, dtype=jnp.int32) % n
    pad_dst = n + jnp.arange(pad, dtype=jnp.int32) % max(n_pad - n, 1)
    src1 = jnp.concatenate([src1, pad_src])
    dst1 = jnp.concatenate([dst1, pad_dst])
  src2 = src1.reshape(NW, nchunk, CHUNK)
  dst2 = dst1.reshape(NW, nchunk, CHUNK)
  e = e_pad
  zeros2 = jnp.zeros((n_pad, h), jnp.float32)
  zeros1 = jnp.zeros((n_pad,), jnp.float32)

  degp = _deg_pass(n_pad, e)(dst2, zeros1)
  hmat = _tc_matmul(n_pad, d, h)(x, W1)
  hs1, dinv = _tc_scale(n_pad, h)(hmat, degp)
  q = _edge_pass(n_pad, h, e)(hs1, src2, dst2, zeros2)
  hs2 = _tc_mid(n_pad, h, out_w)(q, hs1, dinv, W2)
  r = _edge_pass(n_pad, out_w, e)(hs2, src2, dst2, zeros2)
  out = _tc_final(n_pad, out_w)(r, hs2, dinv)
  return out[:n]

# --- scband reference (transcript-rebuilt; emitter-appended) ---
"""Pipeline reference for scband-cluster-gcn-50002009260268 (READ-ONLY COPY).

The authoritative reference and input builder live on the scoring server;
editing this copy changes nothing except your own understanding.
"""

import jax, jax.numpy as jnp
import numpy as np

N = 10000   # nodes in the cluster subgraph
E = 320000  # edges in the cluster subgraph
D = 128     # feature_count
H = 64      # hidden width of StackedGCN
OUT = 64    # embed_size


def setup_inputs(seed: int = 0) -> dict:
    key = jax.random.key(seed)
    k1, k2, k3, k4 = jax.random.split(key, 4)
    features = jax.random.normal(k1, (N, D), dtype=jnp.float32)
    edge_index = jax.random.randint(k2, (2, E), 0, N, dtype=jnp.int32)
    W1 = jax.random.normal(k3, (D, H), dtype=jnp.float32) * 0.05
    W2 = jax.random.normal(k4, (H, OUT), dtype=jnp.float32) * 0.05
    return {"features": features, "edge_index": edge_index, "W1": W1, "W2": W2}


def _gcn_conv(x, src, dst, W, num_nodes):
    # GCNConv with symmetric normalization, self-loops already appended to src/dst.
    h = x @ W
    ones = jnp.ones((src.shape[0],), dtype=h.dtype)
    deg = jnp.zeros((num_nodes,), dtype=h.dtype).at[dst].add(ones)
    dinv = jax.lax.rsqrt(jnp.maximum(deg, 1.0))
    coef = dinv[src] * dinv[dst]
    msg = h[src] * coef[:, None]
    out = jnp.zeros((num_nodes, h.shape[1]), dtype=h.dtype).at[dst].add(msg)
    return out


def reference(features, edge_index, W1, W2):
    # Faithful translation of ClusterGCN.forward for one cluster: the
    # clustering_machine lookup yields (edges, features) for this subgraph,
    # which are passed to StackedGCN (2-layer GCN: D -> H -> embed_size).
    src = edge_index[0]
    dst = edge_index[1]
    loop = jnp.arange(N, dtype=src.dtype)
    src = jnp.concatenate([src, loop])
    dst = jnp.concatenate([dst, loop])
    h = _gcn_conv(features, src, dst, W1, N)
    h = jax.nn.relu(h)
    sub_embedding = _gcn_conv(h, src, dst, W2, N)
    return sub_embedding

if __name__ == "__main__":
    import jax
    _d = setup_inputs()
    print(jax.jit(kernel)(*tuple(_d.values())))

</pallas_src>

<mosaic_0001>
#map = affine_map<(d0, d1) -> (0, 0)>
#map1 = affine_map<(d0, d1) -> (0, 0, 0)>
module attributes {stable_mosaic.version = 14 : i64} {
  func.func @body(%arg0: i32, %arg1: i32, %arg2: memref<10240x64xf32, #tpu.memory_space<hbm>>, %arg3: memref<32x125x80xi32, #tpu.memory_space<hbm>>, %arg4: memref<32x125x80xi32, #tpu.memory_space<hbm>>, %arg5: memref<10240x64xf32, #tpu.memory_space<hbm>>, %arg6: memref<2x10240x64xf32, #tpu.memory_space<hbm>>, %arg7: memref<125x80xi32, #tpu.memory_space<vmem>>, %arg8: memref<125x80xi32, #tpu.memory_space<vmem>>, %arg9: memref<80x64xf32, #tpu.memory_space<vmem>>, %arg10: memref<80x64xf32, #tpu.memory_space<vmem>>, %arg11: memref<80x64xf32, #tpu.memory_space<vmem>>, %arg12: memref<80x64xf32, #tpu.memory_space<vmem>>, %arg13: memref<80x64xf32, #tpu.memory_space<vmem>>, %arg14: memref<10240x64xf32, #tpu.memory_space<vmem_shared>>, %arg15: memref<!tpu.dma_semaphore, #tpu.memory_space<semaphore_mem>>, %arg16: memref<!tpu.dma_semaphore, #tpu.memory_space<semaphore_mem>>, %arg17: memref<!tpu.dma_semaphore, #tpu.memory_space<semaphore_mem>>, %arg18: memref<!tpu.dma_semaphore, #tpu.memory_space<semaphore_mem>>, %arg19: memref<!tpu.dma_semaphore, #tpu.memory_space<semaphore_mem>>) attributes {dimension_semantics = [#tpu.dimension_semantics<core_parallel>, #tpu.dimension_semantics<subcore_parallel>], iteration_bounds = array<i64: 2, 16>, scalar_prefetch = 0 : i64, scratch_operands = 13 : i64, tpu.core_type = #tpu.core_type<sc_vector_subcore>, window_params = [{transform_indices = #map}, {transform_indices = #map1}, {transform_indices = #map1}, {transform_indices = #map}, {transform_indices = #map1}]} {
    %mul3A = arith.constant 2 : i32
    %mul3A_0 = arith.muli %arg1, %mul3A : i32
    %add3A = arith.addi %mul3A_0, %arg0 : i32
    "tpu.region"() ({
      %run_scoped3A = tpu.sem_alloc : memref<!tpu.dma_semaphore, #tpu.memory_space<semaphore_mem>>
      %dma_start3A = arith.constant 0 : i32
      %dma_start3A_15 = arith.constant 0 : i32
      %dma_start3A_16 = tpu.memref_slice %arg3[%add3A, %dma_start3A, %dma_start3A_15] : memref<32x125x80xi32, #tpu.memory_space<hbm>> -> memref<1x125x80xi32, #tpu.memory_space<hbm>>
      %dma_start3A_17 = tpu.memref_squeeze %dma_start3A_16 : memref<1x125x80xi32, #tpu.memory_space<hbm>> -> memref<125x80xi32, #tpu.memory_space<hbm>>
      %dma_start3A_18 = arith.constant 0 : i32
      %dma_start3A_19 = arith.constant 0 : i32
      %dma_start3A_20 = tpu.memref_slice %arg3[%add3A, %dma_start3A_18, %dma_start3A_19] : memref<32x125x80xi32, #tpu.memory_space<hbm>> -> memref<1x125x80xi32, #tpu.memory_space<hbm>>
      %dma_start3A_21 = tpu.memref_squeeze %dma_start3A_20 : memref<1x125x80xi32, #tpu.memory_space<hbm>> -> memref<125x80xi32, #tpu.memory_space<hbm>>
      tpu.enqueue_dma source(%dma_start3A_21 : memref<125x80xi32, #tpu.memory_space<hbm>>) target(%arg7 : memref<125x80xi32, #tpu.memory_space<vmem>>) target_semaphore(%run_scoped3A : memref<!tpu.dma_semaphore, #tpu.memory_space<semaphore_mem>>)
      %dma_wait3A = arith.constant 0 : i32
      %dma_wait3A_22 = arith.constant 0 : i32
      %dma_wait3A_23 = tpu.memref_slice %arg3[%add3A, %dma_wait3A, %dma_wait3A_22] : memref<32x125x80xi32, #tpu.memory_space<hbm>> -> memref<1x125x80xi32, #tpu.memory_space<hbm>>
      %dma_wait3A_24 = tpu.memref_squeeze %dma_wait3A_23 : memref<1x125x80xi32, #tpu.memory_space<hbm>> -> memref<125x80xi32, #tpu.memory_space<hbm>>
      %dma_wait3A_25 = arith.constant 0 : i32
      %dma_wait3A_26 = arith.constant 0 : i32
      %dma_wait3A_27 = tpu.memref_slice %arg3[%add3A, %dma_wait3A_25, %dma_wait3A_26] : memref<32x125x80xi32, #tpu.memory_space<hbm>> -> memref<1x125x80xi32, #tpu.memory_space<hbm>>
      %dma_wait3A_28 = tpu.memref_squeeze %dma_wait3A_27 : memref<1x125x80xi32, #tpu.memory_space<hbm>> -> memref<125x80xi32, #tpu.memory_space<hbm>>
      tpu.wait_dma2 semaphore(%run_scoped3A : memref<!tpu.dma_semaphore, #tpu.memory_space<semaphore_mem>>) src(%dma_wait3A_28 : memref<125x80xi32, #tpu.memory_space<hbm>>) dst(%arg7 : memref<125x80xi32, #tpu.memory_space<vmem>>)
      tpu.yield
    }) : () -> ()
    "tpu.region"() ({
      %run_scoped3A = tpu.sem_alloc : memref<!tpu.dma_semaphore, #tpu.memory_space<semaphore_mem>>
      %dma_start3A = arith.constant 0 : i32
      %dma_start3A_15 = arith.constant 0 : i32
      %dma_start3A_16 = tpu.memref_slice %arg4[%add3A, %dma_start3A, %dma_start3A_15] : memref<32x125x80xi32, #tpu.memory_space<hbm>> -> memref<1x125x80xi32, #tpu.memory_space<hbm>>
      %dma_start3A_17 = tpu.memref_squeeze %dma_start3A_16 : memref<1x125x80xi32, #tpu.memory_space<hbm>> -> memref<125x80xi32, #tpu.memory_space<hbm>>
      %dma_start3A_18 = arith.constant 0 : i32
      %dma_start3A_19 = arith.constant 0 : i32
      %dma_start3A_20 = tpu.memref_slice %arg4[%add3A, %dma_start3A_18, %dma_start3A_19] : memref<32x125x80xi32, #tpu.memory_space<hbm>> -> memref<1x125x80xi32, #tpu.memory_space<hbm>>
      %dma_start3A_21 = tpu.memref_squeeze %dma_start3A_20 : memref<1x125x80xi32, #tpu.memory_space<hbm>> -> memref<125x80xi32, #tpu.memory_space<hbm>>
      tpu.enqueue_dma source(%dma_start3A_21 : memref<125x80xi32, #tpu.memory_space<hbm>>) target(%arg8 : memref<125x80xi32, #tpu.memory_space<vmem>>) target_semaphore(%run_scoped3A : memref<!tpu.dma_semaphore, #tpu.memory_space<semaphore_mem>>)
      %dma_wait3A = arith.constant 0 : i32
      %dma_wait3A_22 = arith.constant 0 : i32
      %dma_wait3A_23 = tpu.memref_slice %arg4[%add3A, %dma_wait3A, %dma_wait3A_22] : memref<32x125x80xi32, #tpu.memory_space<hbm>> -> memref<1x125x80xi32, #tpu.memory_space<hbm>>
      %dma_wait3A_24 = tpu.memref_squeeze %dma_wait3A_23 : memref<1x125x80xi32, #tpu.memory_space<hbm>> -> memref<125x80xi32, #tpu.memory_space<hbm>>
      %dma_wait3A_25 = arith.constant 0 : i32
      %dma_wait3A_26 = arith.constant 0 : i32
      %dma_wait3A_27 = tpu.memref_slice %arg4[%add3A, %dma_wait3A_25, %dma_wait3A_26] : memref<32x125x80xi32, #tpu.memory_space<hbm>> -> memref<1x125x80xi32, #tpu.memory_space<hbm>>
      %dma_wait3A_28 = tpu.memref_squeeze %dma_wait3A_27 : memref<1x125x80xi32, #tpu.memory_space<hbm>> -> memref<125x80xi32, #tpu.memory_space<hbm>>
      tpu.wait_dma2 semaphore(%run_scoped3A : memref<!tpu.dma_semaphore, #tpu.memory_space<semaphore_mem>>) src(%dma_wait3A_28 : memref<125x80xi32, #tpu.memory_space<hbm>>) dst(%arg8 : memref<125x80xi32, #tpu.memory_space<vmem>>)
      tpu.yield
    }) : () -> ()
    %mul3A_1 = arith.constant 640 : i32
    %mul3A_2 = arith.muli %arg1, %mul3A_1 : i32
    %mul3A_3 = arith.constant 640 : i32
    %mul3A_4 = arith.muli %arg1, %mul3A_3 : i32
    "tpu.region"() ({
      %run_scoped3A = tpu.sem_alloc : memref<!tpu.dma_semaphore, #tpu.memory_space<semaphore_mem>>
      %dma_start3A = arith.constant 0 : i32
      %dma_start3A_15 = tpu.memref_slice %arg14[%mul3A_4, %dma_start3A] : memref<10240x64xf32, #tpu.memory_space<vmem_shared>> -> memref<640x64xf32, #tpu.memory_space<vmem_shared>>
      %dma_start3A_16 = arith.constant 0 : i32
      %dma_start3A_17 = tpu.memref_slice %arg5[%mul3A_2, %dma_start3A_16] : memref<10240x64xf32, #tpu.memory_space<hbm>> -> memref<640x64xf32, #tpu.memory_space<hbm>>
      tpu.enqueue_dma source(%dma_start3A_17 : memref<640x64xf32, #tpu.memory_space<hbm>>) target(%dma_start3A_15 : memref<640x64xf32, #tpu.memory_space<vmem_shared>>) target_semaphore(%run_scoped3A : memref<!tpu.dma_semaphore, #tpu.memory_space<semaphore_mem>>)
      %dma_wait3A = arith.constant 0 : i32
      %dma_wait3A_18 = tpu.memref_slice %arg14[%mul3A_4, %dma_wait3A] : memref<10240x64xf32, #tpu.memory_space<vmem_shared>> -> memref<640x64xf32, #tpu.memory_space<vmem_shared>>
      %dma_wait3A_19 = arith.constant 0 : i32
      %dma_wait3A_20 = tpu.memref_slice %arg5[%mul3A_2, %dma_wait3A_19] : memref<10240x64xf32, #tpu.memory_space<hbm>> -> memref<640x64xf32, #tpu.memory_space<hbm>>
      tpu.wait_dma2 semaphore(%run_scoped3A : memref<!tpu.dma_semaphore, #tpu.memory_space<semaphore_mem>>) src(%dma_wait3A_20 : memref<640x64xf32, #tpu.memory_space<hbm>>) dst(%dma_wait3A_18 : memref<640x64xf32, #tpu.memory_space<vmem_shared>>)
      tpu.yield
    }) : () -> ()
    %barrier3A = arith.constant 0 : index
    tpu.barrier barrier_id(%barrier3A)
    %scan3A = arith.constant 0 : i32
    %scan3A_5 = arith.constant 0 : i32
    %scan3A_6 = arith.constant 25 : i32
    %scan3A_7 = arith.addi %scan3A_5, %scan3A_6 : i32
    %scan3A_8 = arith.constant 1 : i32
    scf.for %scan3A_15 = %scan3A_5 to %scan3A_7 step %scan3A_8  : i32 {
      %mul3A_16 = arith.constant 5 : i32
      %mul3A_17 = arith.muli %mul3A_16, %scan3A_15 : i32
      %add3A_18 = arith.constant 0 : i32
      %add3A_19 = arith.addi %mul3A_17, %add3A_18 : i32
      %dma_start3A = arith.constant 0 : i32
      %dma_start3A_20 = tpu.memref_slice %arg7[%add3A_19, %dma_start3A] : memref<125x80xi32, #tpu.memory_space<vmem>> -> memref<1x80xi32, #tpu.memory_space<vmem>>
      %dma_start3A_21 = tpu.memref_squeeze %dma_start3A_20 : memref<1x80xi32, #tpu.memory_space<vmem>> -> memref<80xi32, #tpu.memory_space<vmem>>
      %dma_start3A_22 = arith.constant 0 : i32
      %dma_start3A_23 = arith.constant 0 : i32
      %dma_start3A_24 = tpu.memref_slice %arg2[%dma_start3A_22, %dma_start3A_23] : memref<10240x64xf32, #tpu.memory_space<hbm>> -> memref<10240x64xf32, #tpu.memory_space<hbm>>
      tpu.enqueue_indirect_dma source(%dma_start3A_24 : memref<10240x64xf32, #tpu.memory_space<hbm>>) target(%arg9 : memref<80x64xf32, #tpu.memory_space<vmem>>) offsets(%dma_start3A_21 : memref<80xi32, #tpu.memory_space<vmem>>) semaphore(%arg15 : memref<!tpu.dma_semaphore, #tpu.memory_space<semaphore_mem>>)
      %add3A_25 = arith.constant 1 : i32
      %add3A_26 = arith.addi %mul3A_17, %add3A_25 : i32
      %dma_start3A_27 = arith.constant 0 : i32
      %dma_start3A_28 = tpu.memref_slice %arg7[%add3A_26, %dma_start3A_27] : memref<125x80xi32, #tpu.memory_space<vmem>> -> memref<1x80xi32, #tpu.memory_space<vmem>>
      %dma_start3A_29 = tpu.memref_squeeze %dma_start3A_28 : memref<1x80xi32, #tpu.memory_space<vmem>> -> memref<80xi32, #tpu.memory_space<vmem>>
      %dma_start3A_30 = arith.constant 0 : i32
      %dma_start3A_31 = arith.constant 0 : i32
      %dma_start3A_32 = tpu.memref_slice %arg2[%dma_start3A_30, %dma_start3A_31] : memref<10240x64xf32, #tpu.memory_space<hbm>> -> memref<10240x64xf32, #tpu.memory_space<hbm>>
      tpu.enqueue_indirect_dma source(%dma_start3A_32 : memref<10240x64xf32, #tpu.memory_space<hbm>>) target(%arg10 : memref<80x64xf32, #tpu.memory_space<vmem>>) offsets(%dma_start3A_29 : memref<80xi32, #tpu.memory_space<vmem>>) semaphore(%arg16 : memref<!tpu.dma_semaphore, #tpu.memory_space<semaphore_mem>>)
      %add3A_33 = arith.constant 2 : i32
      %add3A_34 = arith.addi %mul3A_17, %add3A_33 : i32
      %dma_start3A_35 = arith.constant 0 : i32
      %dma_start3A_36 = tpu.memref_slice %arg7[%add3A_34, %dma_start3A_35] : memref<125x80xi32, #tpu.memory_space<vmem>> -> memref<1x80xi32, #tpu.memory_space<vmem>>
      %dma_start3A_37 = tpu.memref_squeeze %dma_start3A_36 : memref<1x80xi32, #tpu.memory_space<vmem>> -> memref<80xi32, #tpu.memory_space<vmem>>
      %dma_start3A_38 = arith.constant 0 : i32
      %dma_start3A_39 = arith.constant 0 : i32
      %dma_start3A_40 = tpu.memref_slice %arg2[%dma_start3A_38, %dma_start3A_39] : memref<10240x64xf32, #tpu.memory_space<hbm>> -> memref<10240x64xf32, #tpu.memory_space<hbm>>
      tpu.enqueue_indirect_dma source(%dma_start3A_40 : memref<10240x64xf32, #tpu.memory_space<hbm>>) target(%arg11 : memref<80x64xf32, #tpu.memory_space<vmem>>) offsets(%dma_start3A_37 : memref<80xi32, #tpu.memory_space<vmem>>) semaphore(%arg17 : memref<!tpu.dma_semaphore, #tpu.memory_space<semaphore_mem>>)
      %add3A_41 = arith.constant 3 : i32
      %add3A_42 = arith.addi %mul3A_17, %add3A_41 : i32
      %dma_start3A_43 = arith.constant 0 : i32
      %dma_start3A_44 = tpu.memref_slice %arg7[%add3A_42, %dma_start3A_43] : memref<125x80xi32, #tpu.memory_space<vmem>> -> memref<1x80xi32, #tpu.memory_space<vmem>>
      %dma_start3A_45 = tpu.memref_squeeze %dma_start3A_44 : memref<1x80xi32, #tpu.memory_space<vmem>> -> memref<80xi32, #tpu.memory_space<vmem>>
      %dma_start3A_46 = arith.constant 0 : i32
      %dma_start3A_47 = arith.constant 0 : i32
      %dma_start3A_48 = tpu.memref_slice %arg2[%dma_start3A_46, %dma_start3A_47] : memref<10240x64xf32, #tpu.memory_space<hbm>> -> memref<10240x64xf32, #tpu.memory_space<hbm>>
      tpu.enqueue_indirect_dma source(%dma_start3A_48 : memref<10240x64xf32, #tpu.memory_space<hbm>>) target(%arg12 : memref<80x64xf32, #tpu.memory_space<vmem>>) offsets(%dma_start3A_45 : memref<80xi32, #tpu.memory_space<vmem>>) semaphore(%arg18 : memref<!tpu.dma_semaphore, #tpu.memory_space<semaphore_mem>>)
      %add3A_49 = arith.constant 4 : i32
      %add3A_50 = arith.addi %mul3A_17, %add3A_49 : i32
      %dma_start3A_51 = arith.constant 0 : i32
      %dma_start3A_52 = tpu.memref_slice %arg7[%add3A_50, %dma_start3A_51] : memref<125x80xi32, #tpu.memory_space<vmem>> -> memref<1x80xi32, #tpu.memory_space<vmem>>
      %dma_start3A_53 = tpu.memref_squeeze %dma_start3A_52 : memref<1x80xi32, #tpu.memory_space<vmem>> -> memref<80xi32, #tpu.memory_space<vmem>>
      %dma_start3A_54 = arith.constant 0 : i32
      %dma_start3A_55 = arith.constant 0 : i32
      %dma_start3A_56 = tpu.memref_slice %arg2[%dma_start3A_54, %dma_start3A_55] : memref<10240x64xf32, #tpu.memory_space<hbm>> -> memref<10240x64xf32, #tpu.memory_space<hbm>>
      tpu.enqueue_indirect_dma source(%dma_start3A_56 : memref<10240x64xf32, #tpu.memory_space<hbm>>) target(%arg13 : memref<80x64xf32, #tpu.memory_space<vmem>>) offsets(%dma_start3A_53 : memref<80xi32, #tpu.memory_space<vmem>>) semaphore(%arg19 : memref<!tpu.dma_semaphore, #tpu.memory_space<semaphore_mem>>)
      %dma_wait3A = arith.constant 0 : i32
      %dma_wait3A_57 = tpu.memref_slice %arg7[%add3A_19, %dma_wait3A] : memref<125x80xi32, #tpu.memory_space<vmem>> -> memref<1x80xi32, #tpu.memory_space<vmem>>
      %dma_wait3A_58 = tpu.memref_squeeze %dma_wait3A_57 : memref<1x80xi32, #tpu.memory_space<vmem>> -> memref<80xi32, #tpu.memory_space<vmem>>
      %dma_wait3A_59 = arith.constant 0 : i32
      %dma_wait3A_60 = arith.constant 0 : i32
      %dma_wait3A_61 = tpu.memref_slice %arg2[%dma_wait3A_59, %dma_wait3A_60] : memref<10240x64xf32, #tpu.memory_space<hbm>> -> memref<10240x64xf32, #tpu.memory_space<hbm>>
      tpu.wait_indirect_dma semaphore(%arg15 : memref<!tpu.dma_semaphore, #tpu.memory_space<semaphore_mem>>) src(%dma_wait3A_61 : memref<10240x64xf32, #tpu.memory_space<hbm>>) dst(%arg9 : memref<80x64xf32, #tpu.memory_space<vmem>>)
      %add3A_62 = arith.constant 0 : i32
      %add3A_63 = arith.addi %mul3A_17, %add3A_62 : i32
      "tpu.region"() ({
        %run_scoped3A = tpu.sem_alloc : memref<!tpu.dma_semaphore, #tpu.memory_space<semaphore_mem>>
        %dma_start3A_96 = arith.constant 0 : i32
        %dma_start3A_97 = tpu.memref_slice %arg8[%add3A_63, %dma_start3A_96] : memref<125x80xi32, #tpu.memory_space<vmem>> -> memref<1x80xi32, #tpu.memory_space<vmem>>
        %dma_start3A_98 = tpu.memref_squeeze %dma_start3A_97 : memref<1x80xi32, #tpu.memory_space<vmem>> -> memref<80xi32, #tpu.memory_space<vmem>>
        %dma_start3A_99 = arith.constant 0 : i32
        %dma_start3A_100 = arith.constant 0 : i32
        %dma_start3A_101 = tpu.memref_slice %arg14[%dma_start3A_99, %dma_start3A_100] : memref<10240x64xf32, #tpu.memory_space<vmem_shared>> -> memref<10240x64xf32, #tpu.memory_space<vmem_shared>>
        tpu.enqueue_indirect_dma source(%arg9 : memref<80x64xf32, #tpu.memory_space<vmem>>) target(%dma_start3A_101 : memref<10240x64xf32, #tpu.memory_space<vmem_shared>>) offsets(%dma_start3A_98 : memref<80xi32, #tpu.memory_space<vmem>>) semaphore(%run_scoped3A : memref<!tpu.dma_semaphore, #tpu.memory_space<semaphore_mem>>) {add = true}
        %dma_wait3A_102 = arith.constant 0 : i32
        %dma_wait3A_103 = tpu.memref_slice %arg8[%add3A_63, %dma_wait3A_102] : memref<125x80xi32, #tpu.memory_space<vmem>> -> memref<1x80xi32, #tpu.memory_space<vmem>>
        %dma_wait3A_104 = tpu.memref_squeeze %dma_wait3A_103 : memref<1x80xi32, #tpu.memory_space<vmem>> -> memref<80xi32, #tpu.memory_space<vmem>>
        %dma_wait3A_105 = arith.constant 0 : i32
        %dma_wait3A_106 = arith.constant 0 : i32
        %dma_wait3A_107 = tpu.memref_slice %arg14[%dma_wait3A_105, %dma_wait3A_106] : memref<10240x64xf32, #tpu.memory_space<vmem_shared>> -> memref<10240x64xf32, #tpu.memory_space<vmem_shared>>
        tpu.wait_indirect_dma semaphore(%run_scoped3A : memref<!tpu.dma_semaphore, #tpu.memory_space<semaphore_mem>>) src(%arg9 : memref<80x64xf32, #tpu.memory_space<vmem>>) dst(%dma_wait3A_107 : memref<10240x64xf32, #tpu.memory_space<vmem_shared>>)
        tpu.yield
      }) : () -> ()
      %dma_wait3A_64 = arith.constant 0 : i32
      %dma_wait3A_65 = tpu.memref_slice %arg7[%add3A_26, %dma_wait3A_64] : memref<125x80xi32, #tpu.memory_space<vmem>> -> memref<1x80xi32, #tpu.memory_space<vmem>>
      %dma_wait3A_66 = tpu.memref_squeeze %dma_wait3A_65 : memref<1x80xi32, #tpu.memory_space<vmem>> -> memref<80xi32, #tpu.memory_space<vmem>>
      %dma_wait3A_67 = arith.constant 0 : i32
      %dma_wait3A_68 = arith.constant 0 : i32
      %dma_wait3A_69 = tpu.memref_slice %arg2[%dma_wait3A_67, %dma_wait3A_68] : memref<10240x64xf32, #tpu.memory_space<hbm>> -> memref<10240x64xf32, #tpu.memory_space<hbm>>
      tpu.wait_indirect_dma semaphore(%arg16 : memref<!tpu.dma_semaphore, #tpu.memory_space<semaphore_mem>>) src(%dma_wait3A_69 : memref<10240x64xf32, #tpu.memory_space<hbm>>) dst(%arg10 : memref<80x64xf32, #tpu.memory_space<vmem>>)
      %add3A_70 = arith.constant 1 : i32
      %add3A_71 = arith.addi %mul3A_17, %add3A_70 : i32
      "tpu.region"() ({
        %run_scoped3A = tpu.sem_alloc : memref<!tpu.dma_semaphore, #tpu.memory_space<semaphore_mem>>
        %dma_start3A_96 = arith.constant 0 : i32
        %dma_start3A_97 = tpu.memref_slice %arg8[%add3A_71, %dma_start3A_96] : memref<125x80xi32, #tpu.memory_space<vmem>> -> memref<1x80xi32, #tpu.memory_space<vmem>>
        %dma_start3A_98 = tpu.memref_squeeze %dma_start3A_97 : memref<1x80xi32, #tpu.memory_space<vmem>> -> memref<80xi32, #tpu.memory_space<vmem>>
        %dma_start3A_99 = arith.constant 0 : i32
        %dma_start3A_100 = arith.constant 0 : i32
        %dma_start3A_101 = tpu.memref_slice %arg14[%dma_start3A_99, %dma_start3A_100] : memref<10240x64xf32, #tpu.memory_space<vmem_shared>> -> memref<10240x64xf32, #tpu.memory_space<vmem_shared>>
        tpu.enqueue_indirect_dma source(%arg10 : memref<80x64xf32, #tpu.memory_space<vmem>>) target(%dma_start3A_101 : memref<10240x64xf32, #tpu.memory_space<vmem_shared>>) offsets(%dma_start3A_98 : memref<80xi32, #tpu.memory_space<vmem>>) semaphore(%run_scoped3A : memref<!tpu.dma_semaphore, #tpu.memory_space<semaphore_mem>>) {add = true}
        %dma_wait3A_102 = arith.constant 0 : i32
        %dma_wait3A_103 = tpu.memref_slice %arg8[%add3A_71, %dma_wait3A_102] : memref<125x80xi32, #tpu.memory_space<vmem>> -> memref<1x80xi32, #tpu.memory_space<vmem>>
        %dma_wait3A_104 = tpu.memref_squeeze %dma_wait3A_103 : memref<1x80xi32, #tpu.memory_space<vmem>> -> memref<80xi32, #tpu.memory_space<vmem>>
        %dma_wait3A_105 = arith.constant 0 : i32
        %dma_wait3A_106 = arith.constant 0 : i32
        %dma_wait3A_107 = tpu.memref_slice %arg14[%dma_wait3A_105, %dma_wait3A_106] : memref<10240x64xf32, #tpu.memory_space<vmem_shared>> -> memref<10240x64xf32, #tpu.memory_space<vmem_shared>>
        tpu.wait_indirect_dma semaphore(%run_scoped3A : memref<!tpu.dma_semaphore, #tpu.memory_space<semaphore_mem>>) src(%arg10 : memref<80x64xf32, #tpu.memory_space<vmem>>) dst(%dma_wait3A_107 : memref<10240x64xf32, #tpu.memory_space<vmem_shared>>)
        tpu.yield
      }) : () -> ()
      %dma_wait3A_72 = arith.constant 0 : i32
      %dma_wait3A_73 = tpu.memref_slice %arg7[%add3A_34, %dma_wait3A_72] : memref<125x80xi32, #tpu.memory_space<vmem>> -> memref<1x80xi32, #tpu.memory_space<vmem>>
      %dma_wait3A_74 = tpu.memref_squeeze %dma_wait3A_73 : memref<1x80xi32, #tpu.memory_space<vmem>> -> memref<80xi32, #tpu.memory_space<vmem>>
      %dma_wait3A_75 = arith.constant 0 : i32
      %dma_wait3A_76 = arith.constant 0 : i32
      %dma_wait3A_77 = tpu.memref_slice %arg2[%dma_wait3A_75, %dma_wait3A_76] : memref<10240x64xf32, #tpu.memory_space<hbm>> -> memref<10240x64xf32, #tpu.memory_space<hbm>>
      tpu.wait_indirect_dma semaphore(%arg17 : memref<!tpu.dma_semaphore, #tpu.memory_space<semaphore_mem>>) src(%dma_wait3A_77 : memref<10240x64xf32, #tpu.memory_space<hbm>>) dst(%arg11 : memref<80x64xf32, #tpu.memory_space<vmem>>)
      %add3A_78 = arith.constant 2 : i32
      %add3A_79 = arith.addi %mul3A_17, %add3A_78 : i32
      "tpu.region"() ({
        %run_scoped3A = tpu.sem_alloc : memref<!tpu.dma_semaphore, #tpu.memory_space<semaphore_mem>>
        %dma_start3A_96 = arith.constant 0 : i32
        %dma_start3A_97 = tpu.memref_slice %arg8[%add3A_79, %dma_start3A_96] : memref<125x80xi32, #tpu.memory_space<vmem>> -> memref<1x80xi32, #tpu.memory_space<vmem>>
        %dma_start3A_98 = tpu.memref_squeeze %dma_start3A_97 : memref<1x80xi32, #tpu.memory_space<vmem>> -> memref<80xi32, #tpu.memory_space<vmem>>
        %dma_start3A_99 = arith.constant 0 : i32
        %dma_start3A_100 = arith.constant 0 : i32
        %dma_start3A_101 = tpu.memref_slice %arg14[%dma_start3A_99, %dma_start3A_100] : memref<10240x64xf32, #tpu.memory_space<vmem_shared>> -> memref<10240x64xf32, #tpu.memory_space<vmem_shared>>
        tpu.enqueue_indirect_dma source(%arg11 : memref<80x64xf32, #tpu.memory_space<vmem>>) target(%dma_start3A_101 : memref<10240x64xf32, #tpu.memory_space<vmem_shared>>) offsets(%dma_start3A_98 : memref<80xi32, #tpu.memory_space<vmem>>) semaphore(%run_scoped3A : memref<!tpu.dma_semaphore, #tpu.memory_space<semaphore_mem>>) {add = true}
        %dma_wait3A_102 = arith.constant 0 : i32
        %dma_wait3A_103 = tpu.memref_slice %arg8[%add3A_79, %dma_wait3A_102] : memref<125x80xi32, #tpu.memory_space<vmem>> -> memref<1x80xi32, #tpu.memory_space<vmem>>
        %dma_wait3A_104 = tpu.memref_squeeze %dma_wait3A_103 : memref<1x80xi32, #tpu.memory_space<vmem>> -> memref<80xi32, #tpu.memory_space<vmem>>
        %dma_wait3A_105 = arith.constant 0 : i32
        %dma_wait3A_106 = arith.constant 0 : i32
        %dma_wait3A_107 = tpu.memref_slice %arg14[%dma_wait3A_105, %dma_wait3A_106] : memref<10240x64xf32, #tpu.memory_space<vmem_shared>> -> memref<10240x64xf32, #tpu.memory_space<vmem_shared>>
        tpu.wait_indirect_dma semaphore(%run_scoped3A : memref<!tpu.dma_semaphore, #tpu.memory_space<semaphore_mem>>) src(%arg11 : memref<80x64xf32, #tpu.memory_space<vmem>>) dst(%dma_wait3A_107 : memref<10240x64xf32, #tpu.memory_space<vmem_shared>>)
        tpu.yield
      }) : () -> ()
      %dma_wait3A_80 = arith.constant 0 : i32
      %dma_wait3A_81 = tpu.memref_slice %arg7[%add3A_42, %dma_wait3A_80] : memref<125x80xi32, #tpu.memory_space<vmem>> -> memref<1x80xi32, #tpu.memory_space<vmem>>
      %dma_wait3A_82 = tpu.memref_squeeze %dma_wait3A_81 : memref<1x80xi32, #tpu.memory_space<vmem>> -> memref<80xi32, #tpu.memory_space<vmem>>
      %dma_wait3A_83 = arith.constant 0 : i32
      %dma_wait3A_84 = arith.constant 0 : i32
      %dma_wait3A_85 = tpu.memref_slice %arg2[%dma_wait3A_83, %dma_wait3A_84] : memref<10240x64xf32, #tpu.memory_space<hbm>> -> memref<10240x64xf32, #tpu.memory_space<hbm>>
      tpu.wait_indirect_dma semaphore(%arg18 : memref<!tpu.dma_semaphore, #tpu.memory_space<semaphore_mem>>) src(%dma_wait3A_85 : memref<10240x64xf32, #tpu.memory_space<hbm>>) dst(%arg12 : memref<80x64xf32, #tpu.memory_space<vmem>>)
      %add3A_86 = arith.constant 3 : i32
      %add3A_87 = arith.addi %mul3A_17, %add3A_86 : i32
      "tpu.region"() ({
        %run_scoped3A = tpu.sem_alloc : memref<!tpu.dma_semaphore, #tpu.memory_space<semaphore_mem>>
        %dma_start3A_96 = arith.constant 0 : i32
        %dma_start3A_97 = tpu.memref_slice %arg8[%add3A_87, %dma_start3A_96] : memref<125x80xi32, #tpu.memory_space<vmem>> -> memref<1x80xi32, #tpu.memory_space<vmem>>
        %dma_start3A_98 = tpu.memref_squeeze %dma_start3A_97 : memref<1x80xi32, #tpu.memory_space<vmem>> -> memref<80xi32, #tpu.memory_space<vmem>>
        %dma_start3A_99 = arith.constant 0 : i32
        %dma_start3A_100 = arith.constant 0 : i32
        %dma_start3A_101 = tpu.memref_slice %arg14[%dma_start3A_99, %dma_start3A_100] : memref<10240x64xf32, #tpu.memory_space<vmem_shared>> -> memref<10240x64xf32, #tpu.memory_space<vmem_shared>>
        tpu.enqueue_indirect_dma source(%arg12 : memref<80x64xf32, #tpu.memory_space<vmem>>) target(%dma_start3A_101 : memref<10240x64xf32, #tpu.memory_space<vmem_shared>>) offsets(%dma_start3A_98 : memref<80xi32, #tpu.memory_space<vmem>>) semaphore(%run_scoped3A : memref<!tpu.dma_semaphore, #tpu.memory_space<semaphore_mem>>) {add = true}
        %dma_wait3A_102 = arith.constant 0 : i32
        %dma_wait3A_103 = tpu.memref_slice %arg8[%add3A_87, %dma_wait3A_102] : memref<125x80xi32, #tpu.memory_space<vmem>> -> memref<1x80xi32, #tpu.memory_space<vmem>>
        %dma_wait3A_104 = tpu.memref_squeeze %dma_wait3A_103 : memref<1x80xi32, #tpu.memory_space<vmem>> -> memref<80xi32, #tpu.memory_space<vmem>>
        %dma_wait3A_105 = arith.constant 0 : i32
        %dma_wait3A_106 = arith.constant 0 : i32
        %dma_wait3A_107 = tpu.memref_slice %arg14[%dma_wait3A_105, %dma_wait3A_106] : memref<10240x64xf32, #tpu.memory_space<vmem_shared>> -> memref<10240x64xf32, #tpu.memory_space<vmem_shared>>
        tpu.wait_indirect_dma semaphore(%run_scoped3A : memref<!tpu.dma_semaphore, #tpu.memory_space<semaphore_mem>>) src(%arg12 : memref<80x64xf32, #tpu.memory_space<vmem>>) dst(%dma_wait3A_107 : memref<10240x64xf32, #tpu.memory_space<vmem_shared>>)
        tpu.yield
      }) : () -> ()
      %dma_wait3A_88 = arith.constant 0 : i32
      %dma_wait3A_89 = tpu.memref_slice %arg7[%add3A_50, %dma_wait3A_88] : memref<125x80xi32, #tpu.memory_space<vmem>> -> memref<1x80xi32, #tpu.memory_space<vmem>>
      %dma_wait3A_90 = tpu.memref_squeeze %dma_wait3A_89 : memref<1x80xi32, #tpu.memory_space<vmem>> -> memref<80xi32, #tpu.memory_space<vmem>>
      %dma_wait3A_91 = arith.constant 0 : i32
      %dma_wait3A_92 = arith.constant 0 : i32
      %dma_wait3A_93 = tpu.memref_slice %arg2[%dma_wait3A_91, %dma_wait3A_92] : memref<10240x64xf32, #tpu.memory_space<hbm>> -> memref<10240x64xf32, #tpu.memory_space<hbm>>
      tpu.wait_indirect_dma semaphore(%arg19 : memref<!tpu.dma_semaphore, #tpu.memory_space<semaphore_mem>>) src(%dma_wait3A_93 : memref<10240x64xf32, #tpu.memory_space<hbm>>) dst(%arg13 : memref<80x64xf32, #tpu.memory_space<vmem>>)
      %add3A_94 = arith.constant 4 : i32
      %add3A_95 = arith.addi %mul3A_17, %add3A_94 : i32
      "tpu.region"() ({
        %run_scoped3A = tpu.sem_alloc : memref<!tpu.dma_semaphore, #tpu.memory_space<semaphore_mem>>
        %dma_start3A_96 = arith.constant 0 : i32
        %dma_start3A_97 = tpu.memref_slice %arg8[%add3A_95, %dma_start3A_96] : memref<125x80xi32, #tpu.memory_space<vmem>> -> memref<1x80xi32, #tpu.memory_space<vmem>>
        %dma_start3A_98 = tpu.memref_squeeze %dma_start3A_97 : memref<1x80xi32, #tpu.memory_space<vmem>> -> memref<80xi32, #tpu.memory_space<vmem>>
        %dma_start3A_99 = arith.constant 0 : i32
        %dma_start3A_100 = arith.constant 0 : i32
        %dma_start3A_101 = tpu.memref_slice %arg14[%dma_start3A_99, %dma_start3A_100] : memref<10240x64xf32, #tpu.memory_space<vmem_shared>> -> memref<10240x64xf32, #tpu.memory_space<vmem_shared>>
        tpu.enqueue_indirect_dma source(%arg13 : memref<80x64xf32, #tpu.memory_space<vmem>>) target(%dma_start3A_101 : memref<10240x64xf32, #tpu.memory_space<vmem_shared>>) offsets(%dma_start3A_98 : memref<80xi32, #tpu.memory_space<vmem>>) semaphore(%run_scoped3A : memref<!tpu.dma_semaphore, #tpu.memory_space<semaphore_mem>>) {add = true}
        %dma_wait3A_102 = arith.constant 0 : i32
        %dma_wait3A_103 = tpu.memref_slice %arg8[%add3A_95, %dma_wait3A_102] : memref<125x80xi32, #tpu.memory_space<vmem>> -> memref<1x80xi32, #tpu.memory_space<vmem>>
        %dma_wait3A_104 = tpu.memref_squeeze %dma_wait3A_103 : memref<1x80xi32, #tpu.memory_space<vmem>> -> memref<80xi32, #tpu.memory_space<vmem>>
        %dma_wait3A_105 = arith.constant 0 : i32
        %dma_wait3A_106 = arith.constant 0 : i32
        %dma_wait3A_107 = tpu.memref_slice %arg14[%dma_wait3A_105, %dma_wait3A_106] : memref<10240x64xf32, #tpu.memory_space<vmem_shared>> -> memref<10240x64xf32, #tpu.memory_space<vmem_shared>>
        tpu.wait_indirect_dma semaphore(%run_scoped3A : memref<!tpu.dma_semaphore, #tpu.memory_space<semaphore_mem>>) src(%arg13 : memref<80x64xf32, #tpu.memory_space<vmem>>) dst(%dma_wait3A_107 : memref<10240x64xf32, #tpu.memory_space<vmem_shared>>)
        tpu.yield
      }) : () -> ()
    }
    %scan3A_9 = arith.constant 25 : i32
    %barrier3A_10 = arith.constant 0 : index
    tpu.barrier barrier_id(%barrier3A_10)
    %mul3A_11 = arith.constant 640 : i32
    %mul3A_12 = arith.muli %arg1, %mul3A_11 : i32
    %mul3A_13 = arith.constant 640 : i32
    %mul3A_14 = arith.muli %arg1, %mul3A_13 : i32
    "tpu.region"() ({
      %run_scoped3A = tpu.sem_alloc : memref<!tpu.dma_semaphore, #tpu.memory_space<semaphore_mem>>
      %dma_start3A = arith.constant 0 : i32
      %dma_start3A_15 = tpu.memref_slice %arg6[%arg0, %mul3A_14, %dma_start3A] : memref<2x10240x64xf32, #tpu.memory_space<hbm>> -> memref<1x640x64xf32, #tpu.memory_space<hbm>>
      %dma_start3A_16 = tpu.memref_squeeze %dma_start3A_15 : memref<1x640x64xf32, #tpu.memory_space<hbm>> -> memref<640x64xf32, #tpu.memory_space<hbm>>
      %dma_start3A_17 = arith.constant 0 : i32
      %dma_start3A_18 = tpu.memref_slice %arg14[%mul3A_12, %dma_start3A_17] : memref<10240x64xf32, #tpu.memory_space<vmem_shared>> -> memref<640x64xf32, #tpu.memory_space<vmem_shared>>
      tpu.enqueue_dma source(%dma_start3A_18 : memref<640x64xf32, #tpu.memory_space<vmem_shared>>) target(%dma_start3A_16 : memref<640x64xf32, #tpu.memory_space<hbm>>) target_semaphore(%run_scoped3A : memref<!tpu.dma_semaphore, #tpu.memory_space<semaphore_mem>>)
      %dma_wait3A = arith.constant 0 : i32
      %dma_wait3A_19 = tpu.memref_slice %arg6[%arg0, %mul3A_14, %dma_wait3A] : memref<2x10240x64xf32, #tpu.memory_space<hbm>> -> memref<1x640x64xf32, #tpu.memory_space<hbm>>
      %dma_wait3A_20 = tpu.memref_squeeze %dma_wait3A_19 : memref<1x640x64xf32, #tpu.memory_space<hbm>> -> memref<640x64xf32, #tpu.memory_space<hbm>>
      %dma_wait3A_21 = arith.constant 0 : i32
      %dma_wait3A_22 = tpu.memref_slice %arg14[%mul3A_12, %dma_wait3A_21] : memref<10240x64xf32, #tpu.memory_space<vmem_shared>> -> memref<640x64xf32, #tpu.memory_space<vmem_shared>>
      tpu.wait_dma2 semaphore(%run_scoped3A : memref<!tpu.dma_semaphore, #tpu.memory_space<semaphore_mem>>) src(%dma_wait3A_22 : memref<640x64xf32, #tpu.memory_space<vmem_shared>>) dst(%dma_wait3A_20 : memref<640x64xf32, #tpu.memory_space<hbm>>)
      tpu.yield
    }) : () -> ()
    return
  }
}

#map = affine_map<(d0, d1) -> (0, 0, 0)>
#map1 = affine_map<(d0, d1) -> (0)>
#map2 = affine_map<(d0, d1) -> (0, 0)>
module attributes {stable_mosaic.version = 14 : i64} {
  func.func @body(%arg0: i32, %arg1: i32, %arg2: memref<32x125x80xi32, #tpu.memory_space<hbm>>, %arg3: memref<10240xf32, #tpu.memory_space<hbm>>, %arg4: memref<2x10240xf32, #tpu.memory_space<hbm>>, %arg5: memref<125x80xi32, #tpu.memory_space<vmem>>, %arg6: memref<80xf32, #tpu.memory_space<vmem>>, %arg7: memref<10240xf32, #tpu.memory_space<vmem_shared>>) attributes {dimension_semantics = [#tpu.dimension_semantics<core_parallel>, #tpu.dimension_semantics<subcore_parallel>], iteration_bounds = array<i64: 2, 16>, scalar_prefetch = 0 : i64, scratch_operands = 3 : i64, tpu.core_type = #tpu.core_type<sc_vector_subcore>, window_params = [{transform_indices = #map}, {transform_indices = #map1}, {transform_indices = #map2}]} {
    %mul3A = arith.constant 2 : i32
    %mul3A_0 = arith.muli %arg1, %mul3A : i32
    %add3A = arith.addi %mul3A_0, %arg0 : i32
    %broadcast_in_dim3A = arith.constant 1.000000e+00 : f32
    %broadcast_in_dim3A_1 = vector.broadcast %broadcast_in_dim3A : f32 to vector<16xf32>
    %swap3A = arith.constant 0 : index
    %swap3A_2 = tpu.vector_load %arg6[%swap3A] {strides = array<i32>} : memref<80xf32, #tpu.memory_space<vmem>>, vector<16xf32>,
    %swap3A_3 = vector.shape_cast %swap3A_2 : vector<16xf32> to vector<16xf32>
    %swap3A_4 = vector.shape_cast %broadcast_in_dim3A_1 : vector<16xf32> to vector<16xf32>
    tpu.vector_store %arg6[%swap3A], %swap3A_4 {strides = array<i32>} : memref<80xf32, #tpu.memory_space<vmem>>, vector<16xf32>,
    %broadcast_in_dim3A_5 = arith.constant 1.000000e+00 : f32
    %broadcast_in_dim3A_6 = vector.broadcast %broadcast_in_dim3A_5 : f32 to vector<16xf32>
    %swap3A_7 = arith.constant 16 : index
    %swap3A_8 = tpu.vector_load %arg6[%swap3A_7] {strides = array<i32>} : memref<80xf32, #tpu.memory_space<vmem>>, vector<16xf32>,
    %swap3A_9 = vector.shape_cast %swap3A_8 : vector<16xf32> to vector<16xf32>
    %swap3A_10 = vector.shape_cast %broadcast_in_dim3A_6 : vector<16xf32> to vector<16xf32>
    tpu.vector_store %arg6[%swap3A_7], %swap3A_10 {strides = array<i32>} : memref<80xf32, #tpu.memory_space<vmem>>, vector<16xf32>,
    %broadcast_in_dim3A_11 = arith.constant 1.000000e+00 : f32
    %broadcast_in_dim3A_12 = vector.broadcast %broadcast_in_dim3A_11 : f32 to vector<16xf32>
    %swap3A_13 = arith.constant 32 : index
    %swap3A_14 = tpu.vector_load %arg6[%swap3A_13] {strides = array<i32>} : memref<80xf32, #tpu.memory_space<vmem>>, vector<16xf32>,
    %swap3A_15 = vector.shape_cast %swap3A_14 : vector<16xf32> to vector<16xf32>
    %swap3A_16 = vector.shape_cast %broadcast_in_dim3A_12 : vector<16xf32> to vector<16xf32>
    tpu.vector_store %arg6[%swap3A_13], %swap3A_16 {strides = array<i32>} : memref<80xf32, #tpu.memory_space<vmem>>, vector<16xf32>,
    %broadcast_in_dim3A_17 = arith.constant 1.000000e+00 : f32
    %broadcast_in_dim3A_18 = vector.broadcast %broadcast_in_dim3A_17 : f32 to vector<16xf32>
    %swap3A_19 = arith.constant 48 : index
    %swap3A_20 = tpu.vector_load %arg6[%swap3A_19] {strides = array<i32>} : memref<80xf32, #tpu.memory_space<vmem>>, vector<16xf32>,
    %swap3A_21 = vector.shape_cast %swap3A_20 : vector<16xf32> to vector<16xf32>
    %swap3A_22 = vector.shape_cast %broadcast_in_dim3A_18 : vector<16xf32> to vector<16xf32>
    tpu.vector_store %arg6[%swap3A_19], %swap3A_22 {strides = array<i32>} : memref<80xf32, #tpu.memory_space<vmem>>, vector<16xf32>,
    %broadcast_in_dim3A_23 = arith.constant 1.000000e+00 : f32
    %broadcast_in_dim3A_24 = vector.broadcast %broadcast_in_dim3A_23 : f32 to vector<16xf32>
    %swap3A_25 = arith.constant 64 : index
    %swap3A_26 = tpu.vector_load %arg6[%swap3A_25] {strides = array<i32>} : memref<80xf32, #tpu.memory_space<vmem>>, vector<16xf32>,
    %swap3A_27 = vector.shape_cast %swap3A_26 : vector<16xf32> to vector<16xf32>
    %swap3A_28 = vector.shape_cast %broadcast_in_dim3A_24 : vector<16xf32> to vector<16xf32>
    tpu.vector_store %arg6[%swap3A_25], %swap3A_28 {strides = array<i32>} : memref<80xf32, #tpu.memory_space<vmem>>, vector<16xf32>,
    "tpu.region"() ({
      %run_scoped3A = tpu.sem_alloc : memref<!tpu.dma_semaphore, #tpu.memory_space<semaphore_mem>>
      %dma_start3A = arith.constant 0 : i32
      %dma_start3A_43 = arith.constant 0 : i32
      %dma_start3A_44 = tpu.memref_slice %arg2[%add3A, %dma_start3A, %dma_start3A_43] : memref<32x125x80xi32, #tpu.memory_space<hbm>> -> memref<1x125x80xi32, #tpu.memory_space<hbm>>
      %dma_start3A_45 = tpu.memref_squeeze %dma_start3A_44 : memref<1x125x80xi32, #tpu.memory_space<hbm>> -> memref<125x80xi32, #tpu.memory_space<hbm>>
      %dma_start3A_46 = arith.constant 0 : i32
      %dma_start3A_47 = arith.constant 0 : i32
      %dma_start3A_48 = tpu.memref_slice %arg2[%add3A, %dma_start3A_46, %dma_start3A_47] : memref<32x125x80xi32, #tpu.memory_space<hbm>> -> memref<1x125x80xi32, #tpu.memory_space<hbm>>
      %dma_start3A_49 = tpu.memref_squeeze %dma_start3A_48 : memref<1x125x80xi32, #tpu.memory_space<hbm>> -> memref<125x80xi32, #tpu.memory_space<hbm>>
      tpu.enqueue_dma source(%dma_start3A_49 : memref<125x80xi32, #tpu.memory_space<hbm>>) target(%arg5 : memref<125x80xi32, #tpu.memory_space<vmem>>) target_semaphore(%run_scoped3A : memref<!tpu.dma_semaphore, #tpu.memory_space<semaphore_mem>>)
      %dma_wait3A = arith.constant 0 : i32
      %dma_wait3A_50 = arith.constant 0 : i32
      %dma_wait3A_51 = tpu.memref_slice %arg2[%add3A, %dma_wait3A, %dma_wait3A_50] : memref<32x125x80xi32, #tpu.memory_space<hbm>> -> memref<1x125x80xi32, #tpu.memory_space<hbm>>
      %dma_wait3A_52 = tpu.memref_squeeze %dma_wait3A_51 : memref<1x125x80xi32, #tpu.memory_space<hbm>> -> memref<125x80xi32, #tpu.memory_space<hbm>>
      %dma_wait3A_53 = arith.constant 0 : i32
      %dma_wait3A_54 = arith.constant 0 : i32
      %dma_wait3A_55 = tpu.memref_slice %arg2[%add3A, %dma_wait3A_53, %dma_wait3A_54] : memref<32x125x80xi32, #tpu.memory_space<hbm>> -> memref<1x125x80xi32, #tpu.memory_space<hbm>>
      %dma_wait3A_56 = tpu.memref_squeeze %dma_wait3A_55 : memref<1x125x80xi32, #tpu.memory_space<hbm>> -> memref<125x80xi32, #tpu.memory_space<hbm>>
      tpu.wait_dma2 semaphore(%run_scoped3A : memref<!tpu.dma_semaphore, #tpu.memory_space<semaphore_mem>>) src(%dma_wait3A_56 : memref<125x80xi32, #tpu.memory_space<hbm>>) dst(%arg5 : memref<125x80xi32, #tpu.memory_space<vmem>>)
      tpu.yield
    }) : () -> ()
    %mul3A_29 = arith.constant 640 : i32
    %mul3A_30 = arith.muli %arg1, %mul3A_29 : i32
    %mul3A_31 = arith.constant 640 : i32
    %mul3A_32 = arith.muli %arg1, %mul3A_31 : i32
    "tpu.region"() ({
      %run_scoped3A = tpu.sem_alloc : memref<!tpu.dma_semaphore, #tpu.memory_space<semaphore_mem>>
      %dma_start3A = tpu.memref_slice %arg7[%mul3A_32] : memref<10240xf32, #tpu.memory_space<vmem_shared>> -> memref<640xf32, #tpu.memory_space<vmem_shared>>
      %dma_start3A_43 = tpu.memref_slice %arg3[%mul3A_30] : memref<10240xf32, #tpu.memory_space<hbm>> -> memref<640xf32, #tpu.memory_space<hbm>>
      tpu.enqueue_dma source(%dma_start3A_43 : memref<640xf32, #tpu.memory_space<hbm>>) target(%dma_start3A : memref<640xf32, #tpu.memory_space<vmem_shared>>) target_semaphore(%run_scoped3A : memref<!tpu.dma_semaphore, #tpu.memory_space<semaphore_mem>>)
      %dma_wait3A = tpu.memref_slice %arg7[%mul3A_32] : memref<10240xf32, #tpu.memory_space<vmem_shared>> -> memref<640xf32, #tpu.memory_space<vmem_shared>>
      %dma_wait3A_44 = tpu.memref_slice %arg3[%mul3A_30] : memref<10240xf32, #tpu.memory_space<hbm>> -> memref<640xf32, #tpu.memory_space<hbm>>
      tpu.wait_dma2 semaphore(%run_scoped3A : memref<!tpu.dma_semaphore, #tpu.memory_space<semaphore_mem>>) src(%dma_wait3A_44 : memref<640xf32, #tpu.memory_space<hbm>>) dst(%dma_wait3A : memref<640xf32, #tpu.memory_space<vmem_shared>>)
      tpu.yield
    }) : () -> ()
    %barrier3A = arith.constant 0 : index
    tpu.barrier barrier_id(%barrier3A)
    %scan3A = arith.constant 0 : i32
    %scan3A_33 = arith.constant 0 : i32
    %scan3A_34 = arith.constant 125 : i32
    %scan3A_35 = arith.addi %scan3A_33, %scan3A_34 : i32
    %scan3A_36 = arith.constant 1 : i32
    scf.for %scan3A_43 = %scan3A_33 to %scan3A_35 step %scan3A_36  : i32 {
      "tpu.region"() ({
        %run_scoped3A = tpu.sem_alloc : memref<!tpu.dma_semaphore, #tpu.memory_space<semaphore_mem>>
        %dma_start3A = arith.constant 0 : i32
        %dma_start3A_44 = tpu.memref_slice %arg5[%scan3A_43, %dma_start3A] : memref<125x80xi32, #tpu.memory_space<vmem>> -> memref<1x80xi32, #tpu.memory_space<vmem>>
        %dma_start3A_45 = tpu.memref_squeeze %dma_start3A_44 : memref<1x80xi32, #tpu.memory_space<vmem>> -> memref<80xi32, #tpu.memory_space<vmem>>
        %dma_start3A_46 = arith.constant 0 : i32
        %dma_start3A_47 = tpu.memref_slice %arg7[%dma_start3A_46] : memref<10240xf32, #tpu.memory_space<vmem_shared>> -> memref<10240xf32, #tpu.memory_space<vmem_shared>>
        tpu.enqueue_indirect_dma source(%arg6 : memref<80xf32, #tpu.memory_space<vmem>>) target(%dma_start3A_47 : memref<10240xf32, #tpu.memory_space<vmem_shared>>) offsets(%dma_start3A_45 : memref<80xi32, #tpu.memory_space<vmem>>) semaphore(%run_scoped3A : memref<!tpu.dma_semaphore, #tpu.memory_space<semaphore_mem>>) {add = true}
        %dma_wait3A = arith.constant 0 : i32
        %dma_wait3A_48 = tpu.memref_slice %arg5[%scan3A_43, %dma_wait3A] : memref<125x80xi32, #tpu.memory_space<vmem>> -> memref<1x80xi32, #tpu.memory_space<vmem>>
        %dma_wait3A_49 = tpu.memref_squeeze %dma_wait3A_48 : memref<1x80xi32, #tpu.memory_space<vmem>> -> memref<80xi32, #tpu.memory_space<vmem>>
        %dma_wait3A_50 = arith.constant 0 : i32
        %dma_wait3A_51 = tpu.memref_slice %arg7[%dma_wait3A_50] : memref<10240xf32, #tpu.memory_space<vmem_shared>> -> memref<10240xf32, #tpu.memory_space<vmem_shared>>
        tpu.wait_indirect_dma semaphore(%run_scoped3A : memref<!tpu.dma_semaphore, #tpu.memory_space<semaphore_mem>>) src(%arg6 : memref<80xf32, #tpu.memory_space<vmem>>) dst(%dma_wait3A_51 : memref<10240xf32, #tpu.memory_space<vmem_shared>>)
        tpu.yield
      }) : () -> ()
    }
    %scan3A_37 = arith.constant 125 : i32
    %barrier3A_38 = arith.constant 0 : index
    tpu.barrier barrier_id(%barrier3A_38)
    %mul3A_39 = arith.constant 640 : i32
    %mul3A_40 = arith.muli %arg1, %mul3A_39 : i32
    %mul3A_41 = arith.constant 640 : i32
    %mul3A_42 = arith.muli %arg1, %mul3A_41 : i32
    "tpu.region"() ({
      %run_scoped3A = tpu.sem_alloc : memref<!tpu.dma_semaphore, #tpu.memory_space<semaphore_mem>>
      %dma_start3A = tpu.memref_slice %arg4[%arg0, %mul3A_42] : memref<2x10240xf32, #tpu.memory_space<hbm>> -> memref<1x640xf32, #tpu.memory_space<hbm>>
      %dma_start3A_43 = tpu.memref_squeeze %dma_start3A : memref<1x640xf32, #tpu.memory_space<hbm>> -> memref<640xf32, #tpu.memory_space<hbm>>
      %dma_start3A_44 = tpu.memref_slice %arg7[%mul3A_40] : memref<10240xf32, #tpu.memory_space<vmem_shared>> -> memref<640xf32, #tpu.memory_space<vmem_shared>>
      tpu.enqueue_dma source(%dma_start3A_44 : memref<640xf32, #tpu.memory_space<vmem_shared>>) target(%dma_start3A_43 : memref<640xf32, #tpu.memory_space<hbm>>) target_semaphore(%run_scoped3A : memref<!tpu.dma_semaphore, #tpu.memory_space<semaphore_mem>>)
      %dma_wait3A = tpu.memref_slice %arg4[%arg0, %mul3A_42] : memref<2x10240xf32, #tpu.memory_space<hbm>> -> memref<1x640xf32, #tpu.memory_space<hbm>>
      %dma_wait3A_45 = tpu.memref_squeeze %dma_wait3A : memref<1x640xf32, #tpu.memory_space<hbm>> -> memref<640xf32, #tpu.memory_space<hbm>>
      %dma_wait3A_46 = tpu.memref_slice %arg7[%mul3A_40] : memref<10240xf32, #tpu.memory_space<vmem_shared>> -> memref<640xf32, #tpu.memory_space<vmem_shared>>
      tpu.wait_dma2 semaphore(%run_scoped3A : memref<!tpu.dma_semaphore, #tpu.memory_space<semaphore_mem>>) src(%dma_wait3A_46 : memref<640xf32, #tpu.memory_space<vmem_shared>>) dst(%dma_wait3A_45 : memref<640xf32, #tpu.memory_space<hbm>>)
      tpu.yield
    }) : () -> ()
    return
  }
}

#map = affine_map<(d0, d1) -> (0, 0)>
#map1 = affine_map<(d0, d1) -> (0, 0, 0)>
module attributes {stable_mosaic.version = 14 : i64} {
  func.func @body(%arg0: i32, %arg1: i32, %arg2: memref<10240x64xf32, #tpu.memory_space<hbm>>, %arg3: memref<32x125x80xi32, #tpu.memory_space<hbm>>, %arg4: memref<32x125x80xi32, #tpu.memory_space<hbm>>, %arg5: memref<10240x64xf32, #tpu.memory_space<hbm>>, %arg6: memref<2x10240x64xf32, #tpu.memory_space<hbm>>, %arg7: memref<125x80xi32, #tpu.memory_space<vmem>>, %arg8: memref<125x80xi32, #tpu.memory_space<vmem>>, %arg9: memref<80x64xf32, #tpu.memory_space<vmem>>, %arg10: memref<80x64xf32, #tpu.memory_space<vmem>>, %arg11: memref<80x64xf32, #tpu.memory_space<vmem>>, %arg12: memref<80x64xf32, #tpu.memory_space<vmem>>, %arg13: memref<80x64xf32, #tpu.memory_space<vmem>>, %arg14: memref<10240x64xf32, #tpu.memory_space<vmem_shared>>, %arg15: memref<!tpu.dma_semaphore, #tpu.memory_space<semaphore_mem>>, %arg16: memref<!tpu.dma_semaphore, #tpu.memory_space<semaphore_mem>>, %arg17: memref<!tpu.dma_semaphore, #tpu.memory_space<semaphore_mem>>, %arg18: memref<!tpu.dma_semaphore, #tpu.memory_space<semaphore_mem>>, %arg19: memref<!tpu.dma_semaphore, #tpu.memory_space<semaphore_mem>>) attributes {dimension_semantics = [#tpu.dimension_semantics<core_parallel>, #tpu.dimension_semantics<subcore_parallel>], iteration_bounds = array<i64: 2, 16>, scalar_prefetch = 0 : i64, scratch_operands = 13 : i64, tpu.core_type = #tpu.core_type<sc_vector_subcore>, window_params = [{transform_indices = #map}, {transform_indices = #map1}, {transform_indices = #map1}, {transform_indices = #map}, {transform_indices = #map1}]} {
    %mul3A = arith.constant 2 : i32
    %mul3A_0 = arith.muli %arg1, %mul3A : i32
    %add3A = arith.addi %mul3A_0, %arg0 : i32
    "tpu.region"() ({
      %run_scoped3A = tpu.sem_alloc : memref<!tpu.dma_semaphore, #tpu.memory_space<semaphore_mem>>
      %dma_start3A = arith.constant 0 : i32
      %dma_start3A_15 = arith.constant 0 : i32
      %dma_start3A_16 = tpu.memref_slice %arg3[%add3A, %dma_start3A, %dma_start3A_15] : memref<32x125x80xi32, #tpu.memory_space<hbm>> -> memref<1x125x80xi32, #tpu.memory_space<hbm>>
      %dma_start3A_17 = tpu.memref_squeeze %dma_start3A_16 : memref<1x125x80xi32, #tpu.memory_space<hbm>> -> memref<125x80xi32, #tpu.memory_space<hbm>>
      %dma_start3A_18 = arith.constant 0 : i32
      %dma_start3A_19 = arith.constant 0 : i32
      %dma_start3A_20 = tpu.memref_slice %arg3[%add3A, %dma_start3A_18, %dma_start3A_19] : memref<32x125x80xi32, #tpu.memory_space<hbm>> -> memref<1x125x80xi32, #tpu.memory_space<hbm>>
      %dma_start3A_21 = tpu.memref_squeeze %dma_start3A_20 : memref<1x125x80xi32, #tpu.memory_space<hbm>> -> memref<125x80xi32, #tpu.memory_space<hbm>>
      tpu.enqueue_dma source(%dma_start3A_21 : memref<125x80xi32, #tpu.memory_space<hbm>>) target(%arg7 : memref<125x80xi32, #tpu.memory_space<vmem>>) target_semaphore(%run_scoped3A : memref<!tpu.dma_semaphore, #tpu.memory_space<semaphore_mem>>)
      %dma_wait3A = arith.constant 0 : i32
      %dma_wait3A_22 = arith.constant 0 : i32
      %dma_wait3A_23 = tpu.memref_slice %arg3[%add3A, %dma_wait3A, %dma_wait3A_22] : memref<32x125x80xi32, #tpu.memory_space<hbm>> -> memref<1x125x80xi32, #tpu.memory_space<hbm>>
      %dma_wait3A_24 = tpu.memref_squeeze %dma_wait3A_23 : memref<1x125x80xi32, #tpu.memory_space<hbm>> -> memref<125x80xi32, #tpu.memory_space<hbm>>
      %dma_wait3A_25 = arith.constant 0 : i32
      %dma_wait3A_26 = arith.constant 0 : i32
      %dma_wait3A_27 = tpu.memref_slice %arg3[%add3A, %dma_wait3A_25, %dma_wait3A_26] : memref<32x125x80xi32, #tpu.memory_space<hbm>> -> memref<1x125x80xi32, #tpu.memory_space<hbm>>
      %dma_wait3A_28 = tpu.memref_squeeze %dma_wait3A_27 : memref<1x125x80xi32, #tpu.memory_space<hbm>> -> memref<125x80xi32, #tpu.memory_space<hbm>>
      tpu.wait_dma2 semaphore(%run_scoped3A : memref<!tpu.dma_semaphore, #tpu.memory_space<semaphore_mem>>) src(%dma_wait3A_28 : memref<125x80xi32, #tpu.memory_space<hbm>>) dst(%arg7 : memref<125x80xi32, #tpu.memory_space<vmem>>)
      tpu.yield
    }) : () -> ()
    "tpu.region"() ({
      %run_scoped3A = tpu.sem_alloc : memref<!tpu.dma_semaphore, #tpu.memory_space<semaphore_mem>>
      %dma_start3A = arith.constant 0 : i32
      %dma_start3A_15 = arith.constant 0 : i32
      %dma_start3A_16 = tpu.memref_slice %arg4[%add3A, %dma_start3A, %dma_start3A_15] : memref<32x125x80xi32, #tpu.memory_space<hbm>> -> memref<1x125x80xi32, #tpu.memory_space<hbm>>
      %dma_start3A_17 = tpu.memref_squeeze %dma_start3A_16 : memref<1x125x80xi32, #tpu.memory_space<hbm>> -> memref<125x80xi32, #tpu.memory_space<hbm>>
      %dma_start3A_18 = arith.constant 0 : i32
      %dma_start3A_19 = arith.constant 0 : i32
      %dma_start3A_20 = tpu.memref_slice %arg4[%add3A, %dma_start3A_18, %dma_start3A_19] : memref<32x125x80xi32, #tpu.memory_space<hbm>> -> memref<1x125x80xi32, #tpu.memory_space<hbm>>
      %dma_start3A_21 = tpu.memref_squeeze %dma_start3A_20 : memref<1x125x80xi32, #tpu.memory_space<hbm>> -> memref<125x80xi32, #tpu.memory_space<hbm>>
      tpu.enqueue_dma source(%dma_start3A_21 : memref<125x80xi32, #tpu.memory_space<hbm>>) target(%arg8 : memref<125x80xi32, #tpu.memory_space<vmem>>) target_semaphore(%run_scoped3A : memref<!tpu.dma_semaphore, #tpu.memory_space<semaphore_mem>>)
      %dma_wait3A = arith.constant 0 : i32
      %dma_wait3A_22 = arith.constant 0 : i32
      %dma_wait3A_23 = tpu.memref_slice %arg4[%add3A, %dma_wait3A, %dma_wait3A_22] : memref<32x125x80xi32, #tpu.memory_space<hbm>> -> memref<1x125x80xi32, #tpu.memory_space<hbm>>
      %dma_wait3A_24 = tpu.memref_squeeze %dma_wait3A_23 : memref<1x125x80xi32, #tpu.memory_space<hbm>> -> memref<125x80xi32, #tpu.memory_space<hbm>>
      %dma_wait3A_25 = arith.constant 0 : i32
      %dma_wait3A_26 = arith.constant 0 : i32
      %dma_wait3A_27 = tpu.memref_slice %arg4[%add3A, %dma_wait3A_25, %dma_wait3A_26] : memref<32x125x80xi32, #tpu.memory_space<hbm>> -> memref<1x125x80xi32, #tpu.memory_space<hbm>>
      %dma_wait3A_28 = tpu.memref_squeeze %dma_wait3A_27 : memref<1x125x80xi32, #tpu.memory_space<hbm>> -> memref<125x80xi32, #tpu.memory_space<hbm>>
      tpu.wait_dma2 semaphore(%run_scoped3A : memref<!tpu.dma_semaphore, #tpu.memory_space<semaphore_mem>>) src(%dma_wait3A_28 : memref<125x80xi32, #tpu.memory_space<hbm>>) dst(%arg8 : memref<125x80xi32, #tpu.memory_space<vmem>>)
      tpu.yield
    }) : () -> ()
    %mul3A_1 = arith.constant 640 : i32
    %mul3A_2 = arith.muli %arg1, %mul3A_1 : i32
    %mul3A_3 = arith.constant 640 : i32
    %mul3A_4 = arith.muli %arg1, %mul3A_3 : i32
    "tpu.region"() ({
      %run_scoped3A = tpu.sem_alloc : memref<!tpu.dma_semaphore, #tpu.memory_space<semaphore_mem>>
      %dma_start3A = arith.constant 0 : i32
      %dma_start3A_15 = tpu.memref_slice %arg14[%mul3A_4, %dma_start3A] : memref<10240x64xf32, #tpu.memory_space<vmem_shared>> -> memref<640x64xf32, #tpu.memory_space<vmem_shared>>
      %dma_start3A_16 = arith.constant 0 : i32
      %dma_start3A_17 = tpu.memref_slice %arg5[%mul3A_2, %dma_start3A_16] : memref<10240x64xf32, #tpu.memory_space<hbm>> -> memref<640x64xf32, #tpu.memory_space<hbm>>
      tpu.enqueue_dma source(%dma_start3A_17 : memref<640x64xf32, #tpu.memory_space<hbm>>) target(%dma_start3A_15 : memref<640x64xf32, #tpu.memory_space<vmem_shared>>) target_semaphore(%run_scoped3A : memref<!tpu.dma_semaphore, #tpu.memory_space<semaphore_mem>>)
      %dma_wait3A = arith.constant 0 : i32
      %dma_wait3A_18 = tpu.memref_slice %arg14[%mul3A_4, %dma_wait3A] : memref<10240x64xf32, #tpu.memory_space<vmem_shared>> -> memref<640x64xf32, #tpu.memory_space<vmem_shared>>
      %dma_wait3A_19 = arith.constant 0 : i32
      %dma_wait3A_20 = tpu.memref_slice %arg5[%mul3A_2, %dma_wait3A_19] : memref<10240x64xf32, #tpu.memory_space<hbm>> -> memref<640x64xf32, #tpu.memory_space<hbm>>
      tpu.wait_dma2 semaphore(%run_scoped3A : memref<!tpu.dma_semaphore, #tpu.memory_space<semaphore_mem>>) src(%dma_wait3A_20 : memref<640x64xf32, #tpu.memory_space<hbm>>) dst(%dma_wait3A_18 : memref<640x64xf32, #tpu.memory_space<vmem_shared>>)
      tpu.yield
    }) : () -> ()
    %barrier3A = arith.constant 0 : index
    tpu.barrier barrier_id(%barrier3A)
    %scan3A = arith.constant 0 : i32
    %scan3A_5 = arith.constant 0 : i32
    %scan3A_6 = arith.constant 25 : i32
    %scan3A_7 = arith.addi %scan3A_5, %scan3A_6 : i32
    %scan3A_8 = arith.constant 1 : i32
    scf.for %scan3A_15 = %scan3A_5 to %scan3A_7 step %scan3A_8  : i32 {
      %mul3A_16 = arith.constant 5 : i32
      %mul3A_17 = arith.muli %mul3A_16, %scan3A_15 : i32
      %add3A_18 = arith.constant 0 : i32
      %add3A_19 = arith.addi %mul3A_17, %add3A_18 : i32
      %dma_start3A = arith.constant 0 : i32
      %dma_start3A_20 = tpu.memref_slice %arg7[%add3A_19, %dma_start3A] : memref<125x80xi32, #tpu.memory_space<vmem>> -> memref<1x80xi32, #tpu.memory_space<vmem>>
      %dma_start3A_21 = tpu.memref_squeeze %dma_start3A_20 : memref<1x80xi32, #tpu.memory_space<vmem>> -> memref<80xi32, #tpu.memory_space<vmem>>
      %dma_start3A_22 = arith.constant 0 : i32
      %dma_start3A_23 = arith.constant 0 : i32
      %dma_start3A_24 = tpu.memref_slice %arg2[%dma_start3A_22, %dma_start3A_23] : memref<10240x64xf32, #tpu.memory_space<hbm>> -> memref<10240x64xf32, #tpu.memory_space<hbm>>
      tpu.enqueue_indirect_dma source(%dma_start3A_24 : memref<10240x64xf32, #tpu.memory_space<hbm>>) target(%arg9 : memref<80x64xf32, #tpu.memory_space<vmem>>) offsets(%dma_start3A_21 : memref<80xi32, #tpu.memory_space<vmem>>) semaphore(%arg15 : memref<!tpu.dma_semaphore, #tpu.memory_space<semaphore_mem>>)
      %add3A_25 = arith.constant 1 : i32
      %add3A_26 = arith.addi %mul3A_17, %add3A_25 : i32
      %dma_start3A_27 = arith.constant 0 : i32
      %dma_start3A_28 = tpu.memref_slice %arg7[%add3A_26, %dma_start3A_27] : memref<125x80xi32, #tpu.memory_space<vmem>> -> memref<1x80xi32, #tpu.memory_space<vmem>>
      %dma_start3A_29 = tpu.memref_squeeze %dma_start3A_28 : memref<1x80xi32, #tpu.memory_space<vmem>> -> memref<80xi32, #tpu.memory_space<vmem>>
      %dma_start3A_30 = arith.constant 0 : i32
      %dma_start3A_31 = arith.constant 0 : i32
      %dma_start3A_32 = tpu.memref_slice %arg2[%dma_start3A_30, %dma_start3A_31] : memref<10240x64xf32, #tpu.memory_space<hbm>> -> memref<10240x64xf32, #tpu.memory_space<hbm>>
      tpu.enqueue_indirect_dma source(%dma_start3A_32 : memref<10240x64xf32, #tpu.memory_space<hbm>>) target(%arg10 : memref<80x64xf32, #tpu.memory_space<vmem>>) offsets(%dma_start3A_29 : memref<80xi32, #tpu.memory_space<vmem>>) semaphore(%arg16 : memref<!tpu.dma_semaphore, #tpu.memory_space<semaphore_mem>>)
      %add3A_33 = arith.constant 2 : i32
      %add3A_34 = arith.addi %mul3A_17, %add3A_33 : i32
      %dma_start3A_35 = arith.constant 0 : i32
      %dma_start3A_36 = tpu.memref_slice %arg7[%add3A_34, %dma_start3A_35] : memref<125x80xi32, #tpu.memory_space<vmem>> -> memref<1x80xi32, #tpu.memory_space<vmem>>
      %dma_start3A_37 = tpu.memref_squeeze %dma_start3A_36 : memref<1x80xi32, #tpu.memory_space<vmem>> -> memref<80xi32, #tpu.memory_space<vmem>>
      %dma_start3A_38 = arith.constant 0 : i32
      %dma_start3A_39 = arith.constant 0 : i32
      %dma_start3A_40 = tpu.memref_slice %arg2[%dma_start3A_38, %dma_start3A_39] : memref<10240x64xf32, #tpu.memory_space<hbm>> -> memref<10240x64xf32, #tpu.memory_space<hbm>>
      tpu.enqueue_indirect_dma source(%dma_start3A_40 : memref<10240x64xf32, #tpu.memory_space<hbm>>) target(%arg11 : memref<80x64xf32, #tpu.memory_space<vmem>>) offsets(%dma_start3A_37 : memref<80xi32, #tpu.memory_space<vmem>>) semaphore(%arg17 : memref<!tpu.dma_semaphore, #tpu.memory_space<semaphore_mem>>)
      %add3A_41 = arith.constant 3 : i32
      %add3A_42 = arith.addi %mul3A_17, %add3A_41 : i32
      %dma_start3A_43 = arith.constant 0 : i32
      %dma_start3A_44 = tpu.memref_slice %arg7[%add3A_42, %dma_start3A_43] : memref<125x80xi32, #tpu.memory_space<vmem>> -> memref<1x80xi32, #tpu.memory_space<vmem>>
      %dma_start3A_45 = tpu.memref_squeeze %dma_start3A_44 : memref<1x80xi32, #tpu.memory_space<vmem>> -> memref<80xi32, #tpu.memory_space<vmem>>
      %dma_start3A_46 = arith.constant 0 : i32
      %dma_start3A_47 = arith.constant 0 : i32
      %dma_start3A_48 = tpu.memref_slice %arg2[%dma_start3A_46, %dma_start3A_47] : memref<10240x64xf32, #tpu.memory_space<hbm>> -> memref<10240x64xf32, #tpu.memory_space<hbm>>
      tpu.enqueue_indirect_dma source(%dma_start3A_48 : memref<10240x64xf32, #tpu.memory_space<hbm>>) target(%arg12 : memref<80x64xf32, #tpu.memory_space<vmem>>) offsets(%dma_start3A_45 : memref<80xi32, #tpu.memory_space<vmem>>) semaphore(%arg18 : memref<!tpu.dma_semaphore, #tpu.memory_space<semaphore_mem>>)
      %add3A_49 = arith.constant 4 : i32
      %add3A_50 = arith.addi %mul3A_17, %add3A_49 : i32
      %dma_start3A_51 = arith.constant 0 : i32
      %dma_start3A_52 = tpu.memref_slice %arg7[%add3A_50, %dma_start3A_51] : memref<125x80xi32, #tpu.memory_space<vmem>> -> memref<1x80xi32, #tpu.memory_space<vmem>>
      %dma_start3A_53 = tpu.memref_squeeze %dma_start3A_52 : memref<1x80xi32, #tpu.memory_space<vmem>> -> memref<80xi32, #tpu.memory_space<vmem>>
      %dma_start3A_54 = arith.constant 0 : i32
      %dma_start3A_55 = arith.constant 0 : i32
      %dma_start3A_56 = tpu.memref_slice %arg2[%dma_start3A_54, %dma_start3A_55] : memref<10240x64xf32, #tpu.memory_space<hbm>> -> memref<10240x64xf32, #tpu.memory_space<hbm>>
      tpu.enqueue_indirect_dma source(%dma_start3A_56 : memref<10240x64xf32, #tpu.memory_space<hbm>>) target(%arg13 : memref<80x64xf32, #tpu.memory_space<vmem>>) offsets(%dma_start3A_53 : memref<80xi32, #tpu.memory_space<vmem>>) semaphore(%arg19 : memref<!tpu.dma_semaphore, #tpu.memory_space<semaphore_mem>>)
      %dma_wait3A = arith.constant 0 : i32
      %dma_wait3A_57 = tpu.memref_slice %arg7[%add3A_19, %dma_wait3A] : memref<125x80xi32, #tpu.memory_space<vmem>> -> memref<1x80xi32, #tpu.memory_space<vmem>>
      %dma_wait3A_58 = tpu.memref_squeeze %dma_wait3A_57 : memref<1x80xi32, #tpu.memory_space<vmem>> -> memref<80xi32, #tpu.memory_space<vmem>>
      %dma_wait3A_59 = arith.constant 0 : i32
      %dma_wait3A_60 = arith.constant 0 : i32
      %dma_wait3A_61 = tpu.memref_slice %arg2[%dma_wait3A_59, %dma_wait3A_60] : memref<10240x64xf32, #tpu.memory_space<hbm>> -> memref<10240x64xf32, #tpu.memory_space<hbm>>
      tpu.wait_indirect_dma semaphore(%arg15 : memref<!tpu.dma_semaphore, #tpu.memory_space<semaphore_mem>>) src(%dma_wait3A_61 : memref<10240x64xf32, #tpu.memory_space<hbm>>) dst(%arg9 : memref<80x64xf32, #tpu.memory_space<vmem>>)
      %add3A_62 = arith.constant 0 : i32
      %add3A_63 = arith.addi %mul3A_17, %add3A_62 : i32
      "tpu.region"() ({
        %run_scoped3A = tpu.sem_alloc : memref<!tpu.dma_semaphore, #tpu.memory_space<semaphore_mem>>
        %dma_start3A_96 = arith.constant 0 : i32
        %dma_start3A_97 = tpu.memref_slice %arg8[%add3A_63, %dma_start3A_96] : memref<125x80xi32, #tpu.memory_space<vmem>> -> memref<1x80xi32, #tpu.memory_space<vmem>>
        %dma_start3A_98 = tpu.memref_squeeze %dma_start3A_97 : memref<1x80xi32, #tpu.memory_space<vmem>> -> memref<80xi32, #tpu.memory_space<vmem>>
        %dma_start3A_99 = arith.constant 0 : i32
        %dma_start3A_100 = arith.constant 0 : i32
        %dma_start3A_101 = tpu.memref_slice %arg14[%dma_start3A_99, %dma_start3A_100] : memref<10240x64xf32, #tpu.memory_space<vmem_shared>> -> memref<10240x64xf32, #tpu.memory_space<vmem_shared>>
        tpu.enqueue_indirect_dma source(%arg9 : memref<80x64xf32, #tpu.memory_space<vmem>>) target(%dma_start3A_101 : memref<10240x64xf32, #tpu.memory_space<vmem_shared>>) offsets(%dma_start3A_98 : memref<80xi32, #tpu.memory_space<vmem>>) semaphore(%run_scoped3A : memref<!tpu.dma_semaphore, #tpu.memory_space<semaphore_mem>>) {add = true}
        %dma_wait3A_102 = arith.constant 0 : i32
        %dma_wait3A_103 = tpu.memref_slice %arg8[%add3A_63, %dma_wait3A_102] : memref<125x80xi32, #tpu.memory_space<vmem>> -> memref<1x80xi32, #tpu.memory_space<vmem>>
        %dma_wait3A_104 = tpu.memref_squeeze %dma_wait3A_103 : memref<1x80xi32, #tpu.memory_space<vmem>> -> memref<80xi32, #tpu.memory_space<vmem>>
        %dma_wait3A_105 = arith.constant 0 : i32
        %dma_wait3A_106 = arith.constant 0 : i32
        %dma_wait3A_107 = tpu.memref_slice %arg14[%dma_wait3A_105, %dma_wait3A_106] : memref<10240x64xf32, #tpu.memory_space<vmem_shared>> -> memref<10240x64xf32, #tpu.memory_space<vmem_shared>>
        tpu.wait_indirect_dma semaphore(%run_scoped3A : memref<!tpu.dma_semaphore, #tpu.memory_space<semaphore_mem>>) src(%arg9 : memref<80x64xf32, #tpu.memory_space<vmem>>) dst(%dma_wait3A_107 : memref<10240x64xf32, #tpu.memory_space<vmem_shared>>)
        tpu.yield
      }) : () -> ()
      %dma_wait3A_64 = arith.constant 0 : i32
      %dma_wait3A_65 = tpu.memref_slice %arg7[%add3A_26, %dma_wait3A_64] : memref<125x80xi32, #tpu.memory_space<vmem>> -> memref<1x80xi32, #tpu.memory_space<vmem>>
      %dma_wait3A_66 = tpu.memref_squeeze %dma_wait3A_65 : memref<1x80xi32, #tpu.memory_space<vmem>> -> memref<80xi32, #tpu.memory_space<vmem>>
      %dma_wait3A_67 = arith.constant 0 : i32
      %dma_wait3A_68 = arith.constant 0 : i32
      %dma_wait3A_69 = tpu.memref_slice %arg2[%dma_wait3A_67, %dma_wait3A_68] : memref<10240x64xf32, #tpu.memory_space<hbm>> -> memref<10240x64xf32, #tpu.memory_space<hbm>>
      tpu.wait_indirect_dma semaphore(%arg16 : memref<!tpu.dma_semaphore, #tpu.memory_space<semaphore_mem>>) src(%dma_wait3A_69 : memref<10240x64xf32, #tpu.memory_space<hbm>>) dst(%arg10 : memref<80x64xf32, #tpu.memory_space<vmem>>)
      %add3A_70 = arith.constant 1 : i32
      %add3A_71 = arith.addi %mul3A_17, %add3A_70 : i32
      "tpu.region"() ({
        %run_scoped3A = tpu.sem_alloc : memref<!tpu.dma_semaphore, #tpu.memory_space<semaphore_mem>>
        %dma_start3A_96 = arith.constant 0 : i32
        %dma_start3A_97 = tpu.memref_slice %arg8[%add3A_71, %dma_start3A_96] : memref<125x80xi32, #tpu.memory_space<vmem>> -> memref<1x80xi32, #tpu.memory_space<vmem>>
        %dma_start3A_98 = tpu.memref_squeeze %dma_start3A_97 : memref<1x80xi32, #tpu.memory_space<vmem>> -> memref<80xi32, #tpu.memory_space<vmem>>
        %dma_start3A_99 = arith.constant 0 : i32
        %dma_start3A_100 = arith.constant 0 : i32
        %dma_start3A_101 = tpu.memref_slice %arg14[%dma_start3A_99, %dma_start3A_100] : memref<10240x64xf32, #tpu.memory_space<vmem_shared>> -> memref<10240x64xf32, #tpu.memory_space<vmem_shared>>
        tpu.enqueue_indirect_dma source(%arg10 : memref<80x64xf32, #tpu.memory_space<vmem>>) target(%dma_start3A_101 : memref<10240x64xf32, #tpu.memory_space<vmem_shared>>) offsets(%dma_start3A_98 : memref<80xi32, #tpu.memory_space<vmem>>) semaphore(%run_scoped3A : memref<!tpu.dma_semaphore, #tpu.memory_space<semaphore_mem>>) {add = true}
        %dma_wait3A_102 = arith.constant 0 : i32
        %dma_wait3A_103 = tpu.memref_slice %arg8[%add3A_71, %dma_wait3A_102] : memref<125x80xi32, #tpu.memory_space<vmem>> -> memref<1x80xi32, #tpu.memory_space<vmem>>
        %dma_wait3A_104 = tpu.memref_squeeze %dma_wait3A_103 : memref<1x80xi32, #tpu.memory_space<vmem>> -> memref<80xi32, #tpu.memory_space<vmem>>
        %dma_wait3A_105 = arith.constant 0 : i32
        %dma_wait3A_106 = arith.constant 0 : i32
        %dma_wait3A_107 = tpu.memref_slice %arg14[%dma_wait3A_105, %dma_wait3A_106] : memref<10240x64xf32, #tpu.memory_space<vmem_shared>> -> memref<10240x64xf32, #tpu.memory_space<vmem_shared>>
        tpu.wait_indirect_dma semaphore(%run_scoped3A : memref<!tpu.dma_semaphore, #tpu.memory_space<semaphore_mem>>) src(%arg10 : memref<80x64xf32, #tpu.memory_space<vmem>>) dst(%dma_wait3A_107 : memref<10240x64xf32, #tpu.memory_space<vmem_shared>>)
        tpu.yield
      }) : () -> ()
      %dma_wait3A_72 = arith.constant 0 : i32
      %dma_wait3A_73 = tpu.memref_slice %arg7[%add3A_34, %dma_wait3A_72] : memref<125x80xi32, #tpu.memory_space<vmem>> -> memref<1x80xi32, #tpu.memory_space<vmem>>
      %dma_wait3A_74 = tpu.memref_squeeze %dma_wait3A_73 : memref<1x80xi32, #tpu.memory_space<vmem>> -> memref<80xi32, #tpu.memory_space<vmem>>
      %dma_wait3A_75 = arith.constant 0 : i32
      %dma_wait3A_76 = arith.constant 0 : i32
      %dma_wait3A_77 = tpu.memref_slice %arg2[%dma_wait3A_75, %dma_wait3A_76] : memref<10240x64xf32, #tpu.memory_space<hbm>> -> memref<10240x64xf32, #tpu.memory_space<hbm>>
      tpu.wait_indirect_dma semaphore(%arg17 : memref<!tpu.dma_semaphore, #tpu.memory_space<semaphore_mem>>) src(%dma_wait3A_77 : memref<10240x64xf32, #tpu.memory_space<hbm>>) dst(%arg11 : memref<80x64xf32, #tpu.memory_space<vmem>>)
      %add3A_78 = arith.constant 2 : i32
      %add3A_79 = arith.addi %mul3A_17, %add3A_78 : i32
      "tpu.region"() ({
        %run_scoped3A = tpu.sem_alloc : memref<!tpu.dma_semaphore, #tpu.memory_space<semaphore_mem>>
        %dma_start3A_96 = arith.constant 0 : i32
        %dma_start3A_97 = tpu.memref_slice %arg8[%add3A_79, %dma_start3A_96] : memref<125x80xi32, #tpu.memory_space<vmem>> -> memref<1x80xi32, #tpu.memory_space<vmem>>
        %dma_start3A_98 = tpu.memref_squeeze %dma_start3A_97 : memref<1x80xi32, #tpu.memory_space<vmem>> -> memref<80xi32, #tpu.memory_space<vmem>>
        %dma_start3A_99 = arith.constant 0 : i32
        %dma_start3A_100 = arith.constant 0 : i32
        %dma_start3A_101 = tpu.memref_slice %arg14[%dma_start3A_99, %dma_start3A_100] : memref<10240x64xf32, #tpu.memory_space<vmem_shared>> -> memref<10240x64xf32, #tpu.memory_space<vmem_shared>>
        tpu.enqueue_indirect_dma source(%arg11 : memref<80x64xf32, #tpu.memory_space<vmem>>) target(%dma_start3A_101 : memref<10240x64xf32, #tpu.memory_space<vmem_shared>>) offsets(%dma_start3A_98 : memref<80xi32, #tpu.memory_space<vmem>>) semaphore(%run_scoped3A : memref<!tpu.dma_semaphore, #tpu.memory_space<semaphore_mem>>) {add = true}
        %dma_wait3A_102 = arith.constant 0 : i32
        %dma_wait3A_103 = tpu.memref_slice %arg8[%add3A_79, %dma_wait3A_102] : memref<125x80xi32, #tpu.memory_space<vmem>> -> memref<1x80xi32, #tpu.memory_space<vmem>>
        %dma_wait3A_104 = tpu.memref_squeeze %dma_wait3A_103 : memref<1x80xi32, #tpu.memory_space<vmem>> -> memref<80xi32, #tpu.memory_space<vmem>>
        %dma_wait3A_105 = arith.constant 0 : i32
        %dma_wait3A_106 = arith.constant 0 : i32
        %dma_wait3A_107 = tpu.memref_slice %arg14[%dma_wait3A_105, %dma_wait3A_106] : memref<10240x64xf32, #tpu.memory_space<vmem_shared>> -> memref<10240x64xf32, #tpu.memory_space<vmem_shared>>
        tpu.wait_indirect_dma semaphore(%run_scoped3A : memref<!tpu.dma_semaphore, #tpu.memory_space<semaphore_mem>>) src(%arg11 : memref<80x64xf32, #tpu.memory_space<vmem>>) dst(%dma_wait3A_107 : memref<10240x64xf32, #tpu.memory_space<vmem_shared>>)
        tpu.yield
      }) : () -> ()
      %dma_wait3A_80 = arith.constant 0 : i32
      %dma_wait3A_81 = tpu.memref_slice %arg7[%add3A_42, %dma_wait3A_80] : memref<125x80xi32, #tpu.memory_space<vmem>> -> memref<1x80xi32, #tpu.memory_space<vmem>>
      %dma_wait3A_82 = tpu.memref_squeeze %dma_wait3A_81 : memref<1x80xi32, #tpu.memory_space<vmem>> -> memref<80xi32, #tpu.memory_space<vmem>>
      %dma_wait3A_83 = arith.constant 0 : i32
      %dma_wait3A_84 = arith.constant 0 : i32
      %dma_wait3A_85 = tpu.memref_slice %arg2[%dma_wait3A_83, %dma_wait3A_84] : memref<10240x64xf32, #tpu.memory_space<hbm>> -> memref<10240x64xf32, #tpu.memory_space<hbm>>
      tpu.wait_indirect_dma semaphore(%arg18 : memref<!tpu.dma_semaphore, #tpu.memory_space<semaphore_mem>>) src(%dma_wait3A_85 : memref<10240x64xf32, #tpu.memory_space<hbm>>) dst(%arg12 : memref<80x64xf32, #tpu.memory_space<vmem>>)
      %add3A_86 = arith.constant 3 : i32
      %add3A_87 = arith.addi %mul3A_17, %add3A_86 : i32
      "tpu.region"() ({
        %run_scoped3A = tpu.sem_alloc : memref<!tpu.dma_semaphore, #tpu.memory_space<semaphore_mem>>
        %dma_start3A_96 = arith.constant 0 : i32
        %dma_start3A_97 = tpu.memref_slice %arg8[%add3A_87, %dma_start3A_96] : memref<125x80xi32, #tpu.memory_space<vmem>> -> memref<1x80xi32, #tpu.memory_space<vmem>>
        %dma_start3A_98 = tpu.memref_squeeze %dma_start3A_97 : memref<1x80xi32, #tpu.memory_space<vmem>> -> memref<80xi32, #tpu.memory_space<vmem>>
        %dma_start3A_99 = arith.constant 0 : i32
        %dma_start3A_100 = arith.constant 0 : i32
        %dma_start3A_101 = tpu.memref_slice %arg14[%dma_start3A_99, %dma_start3A_100] : memref<10240x64xf32, #tpu.memory_space<vmem_shared>> -> memref<10240x64xf32, #tpu.memory_space<vmem_shared>>
        tpu.enqueue_indirect_dma source(%arg12 : memref<80x64xf32, #tpu.memory_space<vmem>>) target(%dma_start3A_101 : memref<10240x64xf32, #tpu.memory_space<vmem_shared>>) offsets(%dma_start3A_98 : memref<80xi32, #tpu.memory_space<vmem>>) semaphore(%run_scoped3A : memref<!tpu.dma_semaphore, #tpu.memory_space<semaphore_mem>>) {add = true}
        %dma_wait3A_102 = arith.constant 0 : i32
        %dma_wait3A_103 = tpu.memref_slice %arg8[%add3A_87, %dma_wait3A_102] : memref<125x80xi32, #tpu.memory_space<vmem>> -> memref<1x80xi32, #tpu.memory_space<vmem>>
        %dma_wait3A_104 = tpu.memref_squeeze %dma_wait3A_103 : memref<1x80xi32, #tpu.memory_space<vmem>> -> memref<80xi32, #tpu.memory_space<vmem>>
        %dma_wait3A_105 = arith.constant 0 : i32
        %dma_wait3A_106 = arith.constant 0 : i32
        %dma_wait3A_107 = tpu.memref_slice %arg14[%dma_wait3A_105, %dma_wait3A_106] : memref<10240x64xf32, #tpu.memory_space<vmem_shared>> -> memref<10240x64xf32, #tpu.memory_space<vmem_shared>>
        tpu.wait_indirect_dma semaphore(%run_scoped3A : memref<!tpu.dma_semaphore, #tpu.memory_space<semaphore_mem>>) src(%arg12 : memref<80x64xf32, #tpu.memory_space<vmem>>) dst(%dma_wait3A_107 : memref<10240x64xf32, #tpu.memory_space<vmem_shared>>)
        tpu.yield
      }) : () -> ()
      %dma_wait3A_88 = arith.constant 0 : i32
      %dma_wait3A_89 = tpu.memref_slice %arg7[%add3A_50, %dma_wait3A_88] : memref<125x80xi32, #tpu.memory_space<vmem>> -> memref<1x80xi32, #tpu.memory_space<vmem>>
      %dma_wait3A_90 = tpu.memref_squeeze %dma_wait3A_89 : memref<1x80xi32, #tpu.memory_space<vmem>> -> memref<80xi32, #tpu.memory_space<vmem>>
      %dma_wait3A_91 = arith.constant 0 : i32
      %dma_wait3A_92 = arith.constant 0 : i32
      %dma_wait3A_93 = tpu.memref_slice %arg2[%dma_wait3A_91, %dma_wait3A_92] : memref<10240x64xf32, #tpu.memory_space<hbm>> -> memref<10240x64xf32, #tpu.memory_space<hbm>>
      tpu.wait_indirect_dma semaphore(%arg19 : memref<!tpu.dma_semaphore, #tpu.memory_space<semaphore_mem>>) src(%dma_wait3A_93 : memref<10240x64xf32, #tpu.memory_space<hbm>>) dst(%arg13 : memref<80x64xf32, #tpu.memory_space<vmem>>)
      %add3A_94 = arith.constant 4 : i32
      %add3A_95 = arith.addi %mul3A_17, %add3A_94 : i32
      "tpu.region"() ({
        %run_scoped3A = tpu.sem_alloc : memref<!tpu.dma_semaphore, #tpu.memory_space<semaphore_mem>>
        %dma_start3A_96 = arith.constant 0 : i32
        %dma_start3A_97 = tpu.memref_slice %arg8[%add3A_95, %dma_start3A_96] : memref<125x80xi32, #tpu.memory_space<vmem>> -> memref<1x80xi32, #tpu.memory_space<vmem>>
        %dma_start3A_98 = tpu.memref_squeeze %dma_start3A_97 : memref<1x80xi32, #tpu.memory_space<vmem>> -> memref<80xi32, #tpu.memory_space<vmem>>
        %dma_start3A_99 = arith.constant 0 : i32
        %dma_start3A_100 = arith.constant 0 : i32
        %dma_start3A_101 = tpu.memref_slice %arg14[%dma_start3A_99, %dma_start3A_100] : memref<10240x64xf32, #tpu.memory_space<vmem_shared>> -> memref<10240x64xf32, #tpu.memory_space<vmem_shared>>
        tpu.enqueue_indirect_dma source(%arg13 : memref<80x64xf32, #tpu.memory_space<vmem>>) target(%dma_start3A_101 : memref<10240x64xf32, #tpu.memory_space<vmem_shared>>) offsets(%dma_start3A_98 : memref<80xi32, #tpu.memory_space<vmem>>) semaphore(%run_scoped3A : memref<!tpu.dma_semaphore, #tpu.memory_space<semaphore_mem>>) {add = true}
        %dma_wait3A_102 = arith.constant 0 : i32
        %dma_wait3A_103 = tpu.memref_slice %arg8[%add3A_95, %dma_wait3A_102] : memref<125x80xi32, #tpu.memory_space<vmem>> -> memref<1x80xi32, #tpu.memory_space<vmem>>
        %dma_wait3A_104 = tpu.memref_squeeze %dma_wait3A_103 : memref<1x80xi32, #tpu.memory_space<vmem>> -> memref<80xi32, #tpu.memory_space<vmem>>
        %dma_wait3A_105 = arith.constant 0 : i32
        %dma_wait3A_106 = arith.constant 0 : i32
        %dma_wait3A_107 = tpu.memref_slice %arg14[%dma_wait3A_105, %dma_wait3A_106] : memref<10240x64xf32, #tpu.memory_space<vmem_shared>> -> memref<10240x64xf32, #tpu.memory_space<vmem_shared>>
        tpu.wait_indirect_dma semaphore(%run_scoped3A : memref<!tpu.dma_semaphore, #tpu.memory_space<semaphore_mem>>) src(%arg13 : memref<80x64xf32, #tpu.memory_space<vmem>>) dst(%dma_wait3A_107 : memref<10240x64xf32, #tpu.memory_space<vmem_shared>>)
        tpu.yield
      }) : () -> ()
    }
    %scan3A_9 = arith.constant 25 : i32
    %barrier3A_10 = arith.constant 0 : index
    tpu.barrier barrier_id(%barrier3A_10)
    %mul3A_11 = arith.constant 640 : i32
    %mul3A_12 = arith.muli %arg1, %mul3A_11 : i32
    %mul3A_13 = arith.constant 640 : i32
    %mul3A_14 = arith.muli %arg1, %mul3A_13 : i32
    "tpu.region"() ({
      %run_scoped3A = tpu.sem_alloc : memref<!tpu.dma_semaphore, #tpu.memory_space<semaphore_mem>>
      %dma_start3A = arith.constant 0 : i32
      %dma_start3A_15 = tpu.memref_slice %arg6[%arg0, %mul3A_14, %dma_start3A] : memref<2x10240x64xf32, #tpu.memory_space<hbm>> -> memref<1x640x64xf32, #tpu.memory_space<hbm>>
      %dma_start3A_16 = tpu.memref_squeeze %dma_start3A_15 : memref<1x640x64xf32, #tpu.memory_space<hbm>> -> memref<640x64xf32, #tpu.memory_space<hbm>>
      %dma_start3A_17 = arith.constant 0 : i32
      %dma_start3A_18 = tpu.memref_slice %arg14[%mul3A_12, %dma_start3A_17] : memref<10240x64xf32, #tpu.memory_space<vmem_shared>> -> memref<640x64xf32, #tpu.memory_space<vmem_shared>>
      tpu.enqueue_dma source(%dma_start3A_18 : memref<640x64xf32, #tpu.memory_space<vmem_shared>>) target(%dma_start3A_16 : memref<640x64xf32, #tpu.memory_space<hbm>>) target_semaphore(%run_scoped3A : memref<!tpu.dma_semaphore, #tpu.memory_space<semaphore_mem>>)
      %dma_wait3A = arith.constant 0 : i32
      %dma_wait3A_19 = tpu.memref_slice %arg6[%arg0, %mul3A_14, %dma_wait3A] : memref<2x10240x64xf32, #tpu.memory_space<hbm>> -> memref<1x640x64xf32, #tpu.memory_space<hbm>>
      %dma_wait3A_20 = tpu.memref_squeeze %dma_wait3A_19 : memref<1x640x64xf32, #tpu.memory_space<hbm>> -> memref<640x64xf32, #tpu.memory_space<hbm>>
      %dma_wait3A_21 = arith.constant 0 : i32
      %dma_wait3A_22 = tpu.memref_slice %arg14[%mul3A_12, %dma_wait3A_21] : memref<10240x64xf32, #tpu.memory_space<vmem_shared>> -> memref<640x64xf32, #tpu.memory_space<vmem_shared>>
      tpu.wait_dma2 semaphore(%run_scoped3A : memref<!tpu.dma_semaphore, #tpu.memory_space<semaphore_mem>>) src(%dma_wait3A_22 : memref<640x64xf32, #tpu.memory_space<vmem_shared>>) dst(%dma_wait3A_20 : memref<640x64xf32, #tpu.memory_space<hbm>>)
      tpu.yield
    }) : () -> ()
    return
  }
}

module attributes {stable_mosaic.version = 14 : i64} {
  func.func @body(%arg0: i32, %arg1: memref<1024x128xf32, #tpu.memory_space<vmem>>, %arg2: memref<128x64xf32, #tpu.memory_space<vmem>>, %arg3: memref<1024x64xf32, #tpu.memory_space<vmem>>) attributes {dimension_semantics = [#tpu.dimension_semantics<arbitrary>], iteration_bounds = array<i64: 10>, scalar_prefetch = 0 : i64, scratch_operands = 0 : i64, tpu.core_type = #tpu.core_type<tc>, window_params = [{transform_indices = @transform_0, window_bounds = array<i64: 1024, 128>}, {pipeline_mode = #tpu.pipeline_mode<synchronous>, transform_indices = @transform_1, window_bounds = array<i64: 128, 64>}, {transform_indices = @transform_2, window_bounds = array<i64: 1024, 64>}]} {
    %get3A = arith.constant 0 : index
    %get3A_0 = arith.constant 0 : index
    %get3A_1 = vector.load %arg1[%get3A, %get3A_0] : memref<1024x128xf32, #tpu.memory_space<vmem>>, vector<1024x128xf32>
    %get3A_2 = arith.constant 0 : index
    %get3A_3 = arith.constant 0 : index
    %get3A_4 = vector.load %arg2[%get3A_2, %get3A_3] : memref<128x64xf32, #tpu.memory_space<vmem>>, vector<128x64xf32>
    %dot_general3A = arith.constant dense<0.000000e+00> : vector<1024x64xf32>
    %dot_general3A_5 = tpu.matmul %get3A_1, %get3A_4, %dot_general3A {dimension_numbers = #tpu.dot_dimension_numbers<[1], [0], [0], [1], [0, 0, 1, 1], [], []>, transpose_lhs_hint = false} : vector<1024x128xf32>, vector<128x64xf32>, vector<1024x64xf32> -> vector<1024x64xf32>
    %swap3A = arith.constant 0 : index
    %swap3A_6 = arith.constant 0 : index
    %swap3A_7 = vector.load %arg3[%swap3A, %swap3A_6] : memref<1024x64xf32, #tpu.memory_space<vmem>>, vector<1024x64xf32>
    tpu.vector_store %arg3[%swap3A, %swap3A_6], %dot_general3A_5 {strides = array<i32>} : memref<1024x64xf32, #tpu.memory_space<vmem>>, vector<1024x64xf32>,
    return
  }
  func.func @transform_0(%arg0: i32) -> (i32, i32) {
    %c0_i32 = arith.constant 0 : i32
    %c0_i32_0 = arith.constant 0 : i32
    return %arg0, %c0_i32 : i32, i32
  }
  func.func @transform_1(%arg0: i32) -> (i32, i32) {
    %c0_i32 = arith.constant 0 : i32
    %c0_i32_0 = arith.constant 0 : i32
    %c0_i32_1 = arith.constant 0 : i32
    return %c0_i32, %c0_i32_0 : i32, i32
  }
  func.func @transform_2(%arg0: i32) -> (i32, i32) {
    %c0_i32 = arith.constant 0 : i32
    %c0_i32_0 = arith.constant 0 : i32
    return %arg0, %c0_i32 : i32, i32
  }
}

module attributes {stable_mosaic.version = 14 : i64} {
  func.func @body(%arg0: i32, %arg1: memref<1024x64xf32, #tpu.memory_space<vmem>>, %arg2: memref<2x1024xf32, #tpu.memory_space<vmem>>, %arg3: memref<1024x64xf32, #tpu.memory_space<vmem>>, %arg4: memref<1024x1xf32, #tpu.memory_space<vmem>>) attributes {dimension_semantics = [#tpu.dimension_semantics<arbitrary>], iteration_bounds = array<i64: 10>, scalar_prefetch = 0 : i64, scratch_operands = 0 : i64, tpu.core_type = #tpu.core_type<tc>, window_params = [{transform_indices = @transform_0, window_bounds = array<i64: 1024, 64>}, {transform_indices = @transform_1, window_bounds = array<i64: 2, 1024>}, {transform_indices = @transform_2, window_bounds = array<i64: 1024, 64>}, {transform_indices = @transform_3, window_bounds = array<i64: 1024, 1>}]} {
    %get3A = arith.constant 0 : index
    %get3A_0 = arith.constant 0 : index
    %get3A_1 = vector.load %arg2[%get3A, %get3A_0] : memref<2x1024xf32, #tpu.memory_space<vmem>>, vector<1x1024xf32>
    %get3A_2 = vector.shape_cast %get3A_1 : vector<1x1024xf32> to vector<1024xf32>
    %get3A_3 = arith.constant 1 : index
    %get3A_4 = arith.constant 0 : index
    %get3A_5 = vector.load %arg2[%get3A_3, %get3A_4] : memref<2x1024xf32, #tpu.memory_space<vmem>>, vector<1x1024xf32>
    %get3A_6 = vector.shape_cast %get3A_5 : vector<1x1024xf32> to vector<1024xf32>
    %add3A = arith.addf %get3A_2, %get3A_6 : vector<1024xf32>
    %add3A_7 = arith.constant 1.000000e+00 : f32
    %add3A_8 = vector.broadcast %add3A_7 : f32 to vector<1024xf32>
    %add3A_9 = arith.addf %add3A, %add3A_8 : vector<1024xf32>
    %max3A = arith.constant 1.000000e+00 : f32
    %max3A_10 = vector.broadcast %max3A : f32 to vector<1024xf32>
    %max3A_11 = arith.maximumf %add3A_9, %max3A_10 : vector<1024xf32>
    %rsqrt3A = math.rsqrt %max3A_11 : vector<1024xf32>
    %reshape3A = vector.shape_cast %rsqrt3A : vector<1024xf32> to vector<1x1024xf32>
    %transpose3A = tpu.transpose %reshape3A, [1, 0] : vector<1x1024xf32> -> vector<1024x1xf32>
    %get3A_12 = arith.constant 0 : index
    %get3A_13 = arith.constant 0 : index
    %get3A_14 = vector.load %arg1[%get3A_12, %get3A_13] : memref<1024x64xf32, #tpu.memory_space<vmem>>, vector<1024x64xf32>
    %mul3A = vector.broadcast %transpose3A : vector<1024x1xf32> to vector<1024x64xf32>
    %mul3A_15 = arith.mulf %get3A_14, %mul3A : vector<1024x64xf32>
    %swap3A = arith.constant 0 : index
    %swap3A_16 = arith.constant 0 : index
    %swap3A_17 = vector.load %arg3[%swap3A, %swap3A_16] : memref<1024x64xf32, #tpu.memory_space<vmem>>, vector<1024x64xf32>
    tpu.vector_store %arg3[%swap3A, %swap3A_16], %mul3A_15 {strides = array<i32>} : memref<1024x64xf32, #tpu.memory_space<vmem>>, vector<1024x64xf32>,
    %swap3A_18 = arith.constant 0 : index
    %swap3A_19 = arith.constant 0 : index
    %swap3A_20 = vector.load %arg4[%swap3A_18, %swap3A_19] : memref<1024x1xf32, #tpu.memory_space<vmem>>, vector<1024x1xf32>
    tpu.vector_store %arg4[%swap3A_18, %swap3A_19], %transpose3A {strides = array<i32>} : memref<1024x1xf32, #tpu.memory_space<vmem>>, vector<1024x1xf32>,
    return
  }
  func.func @transform_0(%arg0: i32) -> (i32, i32) {
    %c0_i32 = arith.constant 0 : i32
    %c0_i32_0 = arith.constant 0 : i32
    return %arg0, %c0_i32 : i32, i32
  }
  func.func @transform_1(%arg0: i32) -> (i32, i32) {
    %c0_i32 = arith.constant 0 : i32
    %c0_i32_0 = arith.constant 0 : i32
    return %c0_i32, %arg0 : i32, i32
  }
  func.func @transform_2(%arg0: i32) -> (i32, i32) {
    %c0_i32 = arith.constant 0 : i32
    %c0_i32_0 = arith.constant 0 : i32
    return %arg0, %c0_i32 : i32, i32
  }
  func.func @transform_3(%arg0: i32) -> (i32, i32) {
    %c0_i32 = arith.constant 0 : i32
    %c0_i32_0 = arith.constant 0 : i32
    return %arg0, %c0_i32 : i32, i32
  }
}

module attributes {stable_mosaic.version = 14 : i64} {
  func.func @body(%arg0: i32, %arg1: memref<2x1024x64xf32, #tpu.memory_space<vmem>>, %arg2: memref<1024x64xf32, #tpu.memory_space<vmem>>, %arg3: memref<1024x1xf32, #tpu.memory_space<vmem>>, %arg4: memref<64x64xf32, #tpu.memory_space<vmem>>, %arg5: memref<1024x64xf32, #tpu.memory_space<vmem>>) attributes {dimension_semantics = [#tpu.dimension_semantics<arbitrary>], iteration_bounds = array<i64: 10>, scalar_prefetch = 0 : i64, scratch_operands = 0 : i64, tpu.core_type = #tpu.core_type<tc>, window_params = [{transform_indices = @transform_0, window_bounds = array<i64: 2, 1024, 64>}, {transform_indices = @transform_1, window_bounds = array<i64: 1024, 64>}, {transform_indices = @transform_2, window_bounds = array<i64: 1024, 1>}, {pipeline_mode = #tpu.pipeline_mode<synchronous>, transform_indices = @transform_3, window_bounds = array<i64: 64, 64>}, {transform_indices = @transform_4, window_bounds = array<i64: 1024, 64>}]} {
    %get3A = arith.constant 0 : index
    %get3A_0 = arith.constant 0 : index
    %get3A_1 = arith.constant 0 : index
    %get3A_2 = vector.load %arg1[%get3A, %get3A_0, %get3A_1] : memref<2x1024x64xf32, #tpu.memory_space<vmem>>, vector<1x1024x64xf32>
    %get3A_3 = vector.shape_cast %get3A_2 : vector<1x1024x64xf32> to vector<1024x64xf32>
    %get3A_4 = arith.constant 1 : index
    %get3A_5 = arith.constant 0 : index
    %get3A_6 = arith.constant 0 : index
    %get3A_7 = vector.load %arg1[%get3A_4, %get3A_5, %get3A_6] : memref<2x1024x64xf32, #tpu.memory_space<vmem>>, vector<1x1024x64xf32>
    %get3A_8 = vector.shape_cast %get3A_7 : vector<1x1024x64xf32> to vector<1024x64xf32>
    %add3A = arith.addf %get3A_3, %get3A_8 : vector<1024x64xf32>
    %get3A_9 = arith.constant 0 : index
    %get3A_10 = arith.constant 0 : index
    %get3A_11 = vector.load %arg2[%get3A_9, %get3A_10] : memref<1024x64xf32, #tpu.memory_space<vmem>>, vector<1024x64xf32>
    %add3A_12 = arith.addf %add3A, %get3A_11 : vector<1024x64xf32>
    %get3A_13 = arith.constant 0 : index
    %get3A_14 = arith.constant 0 : index
    %get3A_15 = vector.load %arg3[%get3A_13, %get3A_14] : memref<1024x1xf32, #tpu.memory_space<vmem>>, vector<1024x1xf32>
    %mul3A = vector.broadcast %get3A_15 : vector<1024x1xf32> to vector<1024x64xf32>
    %mul3A_16 = arith.mulf %add3A_12, %mul3A : vector<1024x64xf32>
    %max3A = arith.constant 0.000000e+00 : f32
    %max3A_17 = vector.broadcast %max3A : f32 to vector<1024x64xf32>
    %max3A_18 = arith.maximumf %mul3A_16, %max3A_17 : vector<1024x64xf32>
    %get3A_19 = arith.constant 0 : index
    %get3A_20 = arith.constant 0 : index
    %get3A_21 = vector.load %arg4[%get3A_19, %get3A_20] : memref<64x64xf32, #tpu.memory_space<vmem>>, vector<64x64xf32>
    %dot_general3A = arith.constant dense<0.000000e+00> : vector<1024x64xf32>
    %dot_general3A_22 = tpu.matmul %max3A_18, %get3A_21, %dot_general3A {dimension_numbers = #tpu.dot_dimension_numbers<[1], [0], [0], [1], [0, 0, 1, 1], [], []>, transpose_lhs_hint = false} : vector<1024x64xf32>, vector<64x64xf32>, vector<1024x64xf32> -> vector<1024x64xf32>
    %get3A_23 = arith.constant 0 : index
    %get3A_24 = arith.constant 0 : index
    %get3A_25 = vector.load %arg3[%get3A_23, %get3A_24] : memref<1024x1xf32, #tpu.memory_space<vmem>>, vector<1024x1xf32>
    %mul3A_26 = vector.broadcast %get3A_25 : vector<1024x1xf32> to vector<1024x64xf32>
    %mul3A_27 = arith.mulf %dot_general3A_22, %mul3A_26 : vector<1024x64xf32>
    %swap3A = arith.constant 0 : index
    %swap3A_28 = arith.constant 0 : index
    %swap3A_29 = vector.load %arg5[%swap3A, %swap3A_28] : memref<1024x64xf32, #tpu.memory_space<vmem>>, vector<1024x64xf32>
    tpu.vector_store %arg5[%swap3A, %swap3A_28], %mul3A_27 {strides = array<i32>} : memref<1024x64xf32, #tpu.memory_space<vmem>>, vector<1024x64xf32>,
    return
  }
  func.func @transform_0(%arg0: i32) -> (i32, i32, i32) {
    %c0_i32 = arith.constant 0 : i32
    %c0_i32_0 = arith.constant 0 : i32
    %c0_i32_1 = arith.constant 0 : i32
    return %c0_i32, %arg0, %c0_i32_0 : i32, i32, i32
  }
  func.func @transform_1(%arg0: i32) -> (i32, i32) {
    %c0_i32 = arith.constant 0 : i32
    %c0_i32_0 = arith.constant 0 : i32
    return %arg0, %c0_i32 : i32, i32
  }
  func.func @transform_2(%arg0: i32) -> (i32, i32) {
    %c0_i32 = arith.constant 0 : i32
    %c0_i32_0 = arith.constant 0 : i32
    return %arg0, %c0_i32 : i32, i32
  }
  func.func @transform_3(%arg0: i32) -> (i32, i32) {
    %c0_i32 = arith.constant 0 : i32
    %c0_i32_0 = arith.constant 0 : i32
    %c0_i32_1 = arith.constant 0 : i32
    return %c0_i32, %c0_i32_0 : i32, i32
  }
  func.func @transform_4(%arg0: i32) -> (i32, i32) {
    %c0_i32 = arith.constant 0 : i32
    %c0_i32_0 = arith.constant 0 : i32
    return %arg0, %c0_i32 : i32, i32
  }
}

module attributes {stable_mosaic.version = 14 : i64} {
  func.func @body(%arg0: i32, %arg1: memref<2x1024x64xf32, #tpu.memory_space<vmem>>, %arg2: memref<1024x64xf32, #tpu.memory_space<vmem>>, %arg3: memref<1024x1xf32, #tpu.memory_space<vmem>>, %arg4: memref<1024x64xf32, #tpu.memory_space<vmem>>) attributes {dimension_semantics = [#tpu.dimension_semantics<arbitrary>], iteration_bounds = array<i64: 10>, scalar_prefetch = 0 : i64, scratch_operands = 0 : i64, tpu.core_type = #tpu.core_type<tc>, window_params = [{transform_indices = @transform_0, window_bounds = array<i64: 2, 1024, 64>}, {transform_indices = @transform_1, window_bounds = array<i64: 1024, 64>}, {transform_indices = @transform_2, window_bounds = array<i64: 1024, 1>}, {transform_indices = @transform_3, window_bounds = array<i64: 1024, 64>}]} {
    %get3A = arith.constant 0 : index
    %get3A_0 = arith.constant 0 : index
    %get3A_1 = arith.constant 0 : index
    %get3A_2 = vector.load %arg1[%get3A, %get3A_0, %get3A_1] : memref<2x1024x64xf32, #tpu.memory_space<vmem>>, vector<1x1024x64xf32>
    %get3A_3 = vector.shape_cast %get3A_2 : vector<1x1024x64xf32> to vector<1024x64xf32>
    %get3A_4 = arith.constant 1 : index
    %get3A_5 = arith.constant 0 : index
    %get3A_6 = arith.constant 0 : index
    %get3A_7 = vector.load %arg1[%get3A_4, %get3A_5, %get3A_6] : memref<2x1024x64xf32, #tpu.memory_space<vmem>>, vector<1x1024x64xf32>
    %get3A_8 = vector.shape_cast %get3A_7 : vector<1x1024x64xf32> to vector<1024x64xf32>
    %add3A = arith.addf %get3A_3, %get3A_8 : vector<1024x64xf32>
    %get3A_9 = arith.constant 0 : index
    %get3A_10 = arith.constant 0 : index
    %get3A_11 = vector.load %arg2[%get3A_9, %get3A_10] : memref<1024x64xf32, #tpu.memory_space<vmem>>, vector<1024x64xf32>
    %add3A_12 = arith.addf %add3A, %get3A_11 : vector<1024x64xf32>
    %get3A_13 = arith.constant 0 : index
    %get3A_14 = arith.constant 0 : index
    %get3A_15 = vector.load %arg3[%get3A_13, %get3A_14] : memref<1024x1xf32, #tpu.memory_space<vmem>>, vector<1024x1xf32>
    %mul3A = vector.broadcast %get3A_15 : vector<1024x1xf32> to vector<1024x64xf32>
    %mul3A_16 = arith.mulf %add3A_12, %mul3A : vector<1024x64xf32>
    %swap3A = arith.constant 0 : index
    %swap3A_17 = arith.constant 0 : index
    %swap3A_18 = vector.load %arg4[%swap3A, %swap3A_17] : memref<1024x64xf32, #tpu.memory_space<vmem>>, vector<1024x64xf32>
    tpu.vector_store %arg4[%swap3A, %swap3A_17], %mul3A_16 {strides = array<i32>} : memref<1024x64xf32, #tpu.memory_space<vmem>>, vector<1024x64xf32>,
    return
  }
  func.func @transform_0(%arg0: i32) -> (i32, i32, i32) {
    %c0_i32 = arith.constant 0 : i32
    %c0_i32_0 = arith.constant 0 : i32
    %c0_i32_1 = arith.constant 0 : i32
    return %c0_i32, %arg0, %c0_i32_0 : i32, i32, i32
  }
  func.func @transform_1(%arg0: i32) -> (i32, i32) {
    %c0_i32 = arith.constant 0 : i32
    %c0_i32_0 = arith.constant 0 : i32
    return %arg0, %c0_i32 : i32, i32
  }
  func.func @transform_2(%arg0: i32) -> (i32, i32) {
    %c0_i32 = arith.constant 0 : i32
    %c0_i32_0 = arith.constant 0 : i32
    return %arg0, %c0_i32 : i32, i32
  }
  func.func @transform_3(%arg0: i32) -> (i32, i32) {
    %c0_i32 = arith.constant 0 : i32
    %c0_i32_0 = arith.constant 0 : i32
    return %arg0, %c0_i32 : i32, i32
  }
}

</mosaic_0001>

<sc_bundles>
// kernel: kernel.12.cloned.1.call-start
scs
__scs_entry_jumppad:
0x0: {  	(pc) =	sbr.rel $0x88, $3  }
0x1: {  	(tag) =	ssettag $0x0;
	lr =	simm.s32 $0x1  }
0x2: {  	[smem:$0x3F9D] =	sst lr;
	_ =	strace $0xD0000000  }
0x3: {  	_ = 	snop  }
0x4: {  	_ = 	snop  }
0x5: {  	_ = 	snop  }
0x6: {  	_ = 	snop  }
0x7: {  	_ = 	snop  }
__scs_overlays_trampoline_lowered:
0x8: {  	[smem:$0x3FAC] =	sst s0  }
0x9: {  	[smem:$0x3FAD] =	sst s1  }
0xa: {  	[smem:$0x3FAE] =	sst s2  }
0xb: {  	[smem:$0x3FAF] =	sst s3  }
0xc: {  	[smem:$0x3FB0] =	sst s4  }
0xd: {  	[smem:$0x3FB1] =	sst s5  }
0xe: {  	[smem:$0x3FB2] =	sst s6  }
0xf: {  	[smem:$0x3FB3] =	sst s7  }
0x10: {  	[smem:$0x3FB4] =	sst s8  }
0x11: {  	[smem:$0x3FB5] =	sst s9;
	s0 =	simm.s32 @!p0 $0x0  }
0x12: {  	s1 =	sld [smem:$0x3F9B];
	s0 =	simm.s32 @p0 $0x1  }
0x13: {  	[smem:$0x3FB6] =	sst s0;
	s0 =	simm.s32 @!p1 $0x0  }
0x14: {  	s2 =	sld [smem:$0x3F9A];
	s0 =	simm.s32 @p1 $0x1  }
0x15: {  	[smem:$0x3FB7] =	sst s0;
	s0 =	simm.s32 @!p2 $0x0  }
0x16: {  	s3 =	sld [smem:$0x3FDB];
	s0 =	simm.s32 @p2 $0x1  }
0x17: {  	s4 =	simm.s32 $0x1BF5;
	[smem:$0x3FB9] =	sst s0  }
0x18: {  	s0 =	sld [smem:$0x3F9C];
	_ =	swait.ge [sflag:s4], $0x0  }
0x19: {  	s7 =	sld [smem:$0x3F9D]  }
0x1a: {  	s8 =	sadd.s32 $0xFFFFE003, lr  }
0x1b: {  	s9 =	sadd.s32 $0xFFFFFEF7, lr;
	s5 =	simm.s32 $0xFFFFFFFF;
	p2 =	slt.u32 s8, $0xFFFFF086  }
0x1c: {  	p1 =	slt.u32 s9, $0xF7A;
	s5 =	simm.s32 @!p2 $0x0  }
0x1d: {  	s5 =	simm.s32 @p1 $0x1;
	p0 =	seq.s32 s7, s2  }
0x1e: {  	s7 =	smul.u32 @!p0 $0xF7A, s2;
	p2 =	seq.s32 @!p0 s5, $0x0  }
0x1f: {  	s9 =	smul.u32 $0xF7A, s1;
	s8 =	simm.s32 @!p0 $0x1BF5;
	p2 =	por !p2, p0  }
0x20: {  	[sflag:s8] =	ssyncset.s32 @!p0 $0xFFFFF086;
	s6 =	sadd.s32 @!p0 s3, s7;
	s7 =	simm.s32 @!p0 $0x108  }
0x21: {  	s3 =	sadd.s32 s3, s9;
	s6 =	sadd.s32 @!p0 $0x88, s6;
	s7 =	simm.s32 @p2 $0x1082  }
0x22: {  	[simem:s7], [sflag:s8] =	dma.local @!p0 [hbm:s6], $0xF7A  }
0x23: {  	s9 =	sor.u32 $0xD0000000, s2;
	s6 =	simm.s32 $0x108;
	_ =	swait.ge @!p0 [sflag:s8], $0x0  }
0x24: {  	s3 =	sadd.s32 $0x88, s3;
	s6 =	simm.s32 @!p1 $0x1082;
	[sflag:s4] =	ssyncset.s32 $0xFFFFF086  }
0x25: {  	[simem:s6], [sflag:s4] =	dma.local [hbm:s3], $0xF7A  }
0x26: {  	[smem:$0x3F9D] =	sst s1;
	(tag) =	ssettag s2;
	_ =	strace s9  }
0x27: {  	s1 =	sld [smem:$0x3FAD]  }
0x28: {  	s2 =	sld [smem:$0x3FAE]  }
0x29: {  	s4 =	sld [smem:$0x3FB0]  }
0x2a: {  	p0 =	seq.s32 s5, $0x0;
	s5 =	sld [smem:$0x3FB1]  }
0x2b: {  	s6 =	sld [smem:$0x3FB2]  }
0x2c: {  	s7 =	sld [smem:$0x3FB3]  }
0x2d: {  	s3 =	simm.s32 $0x108;
	s8 =	sld [smem:$0x3FB4]  }
0x2e: {  	s3 =	simm.s32 @!p0 $0x1082;
	s9 =	sld [smem:$0x3FB5]  }
0x2f: {  	lr =	sadd.s32 s0, s3;
	s0 =	sld [smem:$0x3FAC]  }
0x30: {  	s3 =	sld [smem:$0x3FAF]  }
0x31: {  	[smem:$0x3FB8] =	sst s10  }
0x32: {  	s10 =	sld [smem:$0x3FB6];
	_ =	sdelay $0x3  }
0x33: {  	p0 =	seq.s32 s10, $0x1;
	s10 =	sld [smem:$0x3FB8];
	_ =	sdelay $0x3  }
0x34: {  	[smem:$0x3FB8] =	sst s10  }
0x35: {  	s10 =	sld [smem:$0x3FB7];
	_ =	sdelay $0x3  }
0x36: {  	p1 =	seq.s32 s10, $0x1;
	s10 =	sld [smem:$0x3FB8];
	_ =	sdelay $0x3  }
0x37: {  	[smem:$0x3FB8] =	sst s10  }
0x38: {  	s10 =	sld [smem:$0x3FB9]  }
0x39: {  	_ = 	snop;
	(pc) =	sbr.ind lr, $3  }
0x3a: {  	_ = 	snop  }
0x3b: {  	_ = 	snop  }
0x3c: {  	p2 =	seq.s32 s10, $0x1;
	s10 =	sld [smem:$0x3FB8]  }
0x3d: {  	_ =	shalt  }
0x3e: {  	_ =	shalt  }
0x3f: {  	_ =	shalt  }
0x40: {  	_ =	shalt  }
0x41: {  	_ =	shalt  }
0x42: {  	_ =	shalt  }
0x43: {  	_ =	shalt  }
0x44: {  	_ =	shalt  }
0x45: {  	_ =	shalt  }
0x46: {  	_ =	shalt  }
0x47: {  	_ =	shalt  }
0x48: {  	_ =	shalt  }
0x49: {  	_ =	shalt  }
0x4a: {  	_ =	shalt  }
0x4b: {  	_ =	shalt  }
0x4c: {  	_ =	shalt  }
0x4d: {  	_ =	shalt  }
0x4e: {  	_ =	shalt  }
0x4f: {  	_ =	shalt  }
0x50: {  	_ =	shalt  }
0x51: {  	_ =	shalt  }
0x52: {  	_ =	shalt  }
0x53: {  	_ =	shalt  }
0x54: {  	_ =	shalt  }
0x55: {  	_ =	shalt  }
0x56: {  	_ =	shalt  }
0x57: {  	_ =	shalt  }
0x58: {  	_ =	shalt  }
0x59: {  	_ =	shalt  }
0x5a: {  	_ =	shalt  }
0x5b: {  	_ =	shalt  }
0x5c: {  	_ =	shalt  }
0x5d: {  	_ =	shalt  }
0x5e: {  	_ =	shalt  }
0x5f: {  	_ =	shalt  }
0x60: {  	_ =	shalt  }
0x61: {  	_ =	shalt  }
0x62: {  	_ =	shalt  }
0x63: {  	_ =	shalt  }
0x64: {  	_ =	shalt  }
0x65: {  	_ =	shalt  }
0x66: {  	_ =	shalt  }
0x67: {  	_ =	shalt  }
0x68: {  	_ =	shalt  }
0x69: {  	_ =	shalt  }
0x6a: {  	_ =	shalt  }
0x6b: {  	_ =	shalt  }
0x6c: {  	_ =	shalt  }
0x6d: {  	_ =	shalt  }
0x6e: {  	_ =	shalt  }
0x6f: {  	_ =	shalt  }
0x70: {  	_ =	shalt  }
0x71: {  	_ =	shalt  }
0x72: {  	_ =	shalt  }
0x73: {  	_ =	shalt  }
0x74: {  	_ =	shalt  }
0x75: {  	_ =	shalt  }
0x76: {  	_ =	shalt  }
0x77: {  	_ =	shalt  }
0x78: {  	_ =	shalt  }
0x79: {  	_ =	shalt  }
0x7a: {  	_ =	shalt  }
0x7b: {  	_ =	shalt  }
0x7c: {  	_ =	shalt  }
0x7d: {  	_ =	shalt  }
0x7e: {  	_ =	shalt  }
0x7f: {  	_ =	shalt  }
0x80: {  	_ =	shalt  }
0x81: {  	_ =	shalt  }
0x82: {  	_ =	shalt  }
0x83: {  	_ =	shalt  }
0x84: {  	_ =	shalt  }
0x85: {  	_ =	shalt  }
0x86: {  	_ =	shalt  }
0x87: {  	_ =	shalt  }
.Lfunc_end0:
.L_simem_size_0:
called_computation.1_lowered:
.L_overlay_start_0:
0x88: {  	s2 =	sld [smem:$0x3FD9]  }
0x89: {  	s3 =	sld [smem:$0x3FFE];
	_ =	sdelay $0x1  }
0x8a: {  	s1 =	srdreg.scid  }
0x8b: {  	s0 =	sand.u32 $0x1, s1  }
0x8c: {  	s17 =	sshll.u32 s0, $0xA;
	s2 =	sadd.s32 s3, s2  }
0x8d: {  	s2 =	sadd.s32 s2, s17  }
0x8e: {  	[smem:$0x3FC4] =	sst s2  }
0x8f: {  	_ = 	snop  }
0x90: {  	s2 =	sld [smem:$0x3FD0];
	(tm) =	ssettm $0x1  }
0x91: {  	s18 =	sld [smem:$0x3FFB];
	_ =	sdelay $0x3  }
0x92: {  	_ =	strace s18  }
0x93: {  	s3 =	sld [smem:$0x3FFC];
	_ =	sdelay $0x3  }
0x94: {  	_ =	strace s3  }
0x95: {  	s3 =	sld [smem:$0x3FFD];
	_ =	sdelay $0x3  }
0x96: {  	_ =	strace s3  }
0x97: {  	_ =	strace $0x8FFFFFFF  }
0x98: {  	s19 =	sld [smem:$0x3FDB];
	_ =	sdelay $0x1  }
0x99: {  	s4 =	simm.s32 $_scs_section_size  }
0x9a: {  	s5 =	simm.s32 $_size__tile_overlayer_lowered;
	s6 =	simm.s32 $_tile_overlayer_lowered  }
0x9b: {  	s22 =	simm.s32 $0x1BFF;
	s21 =	sshll.u32 s6, $0x1;
	s3 =	sadd.s32 s4, s19  }
0x9c: {  	s7 =	simm.s32 $0x0;
	s20 =	sshll.u32 s5, $0x1;
	s5 =	sadd.s32 s21, s3  }
0x9d: {  	[timem:s7], [sflag:s22] =	dma.local [hbm:s5], s20  }
0x9e: {  	_ =	swait.ge [sflag:s22], s20  }
0x9f: {  	s4 =	ssub.s32 $0x0, s20;
	[sflag:s22] =	ssyncset.done $0x0  }
0xa0: {  	[sflag:s22] =	ssyncadd.s32 s4;
	_ =	sdelay $0x1  }
0xa1: {  	s23 =	simm.s32 $0x1B8B  }
0xa2: {  	_ =	swait.ge [sflag:s23], $0x1  }
0xa3: {  	[sflag:s23] =	ssyncset.done $0x0  }
0xa4: {  	s25 =	simm.s32 $0x1B8E;
	s24 =	sld [smem:$0x3FFE];
	[sflag:s23] =	ssyncadd.s32 $0xFFFFFFFF  }
0xa5: {  	s26 =	simm.s32 $execute0_lowered;
	[smem:$0x3FD2] =	sst s25  }
0xa6: {  	s5 =	sshll.u32 s26, $0x1;
	_ =	strace $0x80000049;
	[dreg:$0x1] =	wrdreg $0xFFFFFFFF  }
0xa7: {  	s28 =	simm.s32 $_size_execute0_lowered;
	s3 =	sadd.s32 s3, s5;
	[dreg:$0x0] =	wrdreg $0x0  }
0xa8: {  	s5 =	sshll.u32 s28, $0x1;
	[dreg:$0x2] =	wrdreg s3  }
0xa9: {  	[dreg:$0x3] =	wrdreg s5  }
0xaa: {  	[dreg:$0x4] =	wrdreg $0xC0  }
0xab: {  	_ =	task [dreg:s7], $0x5FFFF  }
0xac: {  	[dreg:$0x1] =	wrdreg $0xFFFFFFFF  }
0xad: {  	[dreg:$0x0] =	wrdreg $0x60  }
0xae: {  	[dreg:$0x2] =	wrdreg s24  }
0xaf: {  	[dreg:$0x3] =	wrdreg s2  }
0xb0: {  	[dreg:$0x4] =	wrdreg $0xB2200  }
0xb1: {  	[dreg:$0x5] =	wrdreg $0x9  }
0xb2: {  	_ =	task.clear_ibuf [dreg:s7], $0x6FFFF;
	_ =	strace $0x90000049  }
0xb3: {  	s29 =	simm.s32 $0x9;
	_ =	strace $0x8000004B  }
0xb4: {  	_ =	swait.ge [sflag:s29], $0x1  }
0xb5: {  	[sflag:s29] =	ssyncadd.s32 $0xFFFFFFFF  }
0xb6: {  	_ =	strace $0x9000004B  }
0xb7: {  	_ =	sfence  }
0xb8: {  	s30 =	sld [smem:$0x0];
	_ =	sdelay $0x2  }
0xb9: {  	s31 =	sshll.u32 s1, $0xD;
	s1 =	sshrl.u32 s1, $0x2  }
0xba: {  	s3 =	sand.u32 $0x4000, s31;
	s1 =	sadd.s32 s1, s30  }
0xbb: {  	s0 =	sor.u32 s3, s0;
	s1 =	sshll.u32 s1, $0x11  }
0xbc: {  	s0 =	sor.u32 s1, s0  }
0xbd: {  	s0 =	sadd.s32 $0x8F2B, s0  }
0xbe: {  	[sflag:s0] =	ssyncadd.remote.s32 $0x1  }
0xbf: {  	_ =	sfence.sel $0xFFFF  }
0xc0: {  	[dreg:$0x0] =	wrdreg $0xFFFFFFFF;
	(pc) =	sbr.abs _section_cstart, $3  }
0xc1: {  	[dreg:$0x1] =	wrdreg $0xFFFFFFFF  }
0xc2: {  	_ =	task.clear_ibuf [dreg:s7], $0x2FFFF;
	_ =	strace $0x9FFFFFFF  }
0xc3: {  	(tm) =	ssettm $0x7FFFFFFF  }
tec
execute0_lowered:
.L_overlay_start_1:
0x0: {  	(tag) =	ssettag $0x1  }
0x1: {  	s5 =	rddreg [dreg:$0x0]  }
0x2: {  	s1 =	srdreg.scid;
	s7 =	rddreg [dreg:$0x1]  }
0x3: {  	s0 =	stileid.u32;
	s2 =	rddreg [dreg:$0x2];
	s3 =	simm.s32 $0x0  }
0x4: {  	s15 =	simm.s32 $0x4E20;
	s16 =	simm.s32 $0x6220;
	s17 =	simm.s32 $0x7620  }
0x5: {  	s18 =	simm.s32 $0x8A20;
	s19 =	simm.s32 $0x9E20;
	s20 =	simm.s32 $0x1  }
0x6: {  	s21 =	simm.s32 $0x2;
	s22 =	simm.s32 $0x3;
	s23 =	simm.s32 $0x4  }
0x7: {  	s24 =	simm.s32 $0x5;
	s25 =	simm.s32 $0x0;
	s6 =	sand.u32 $0x1, s1  }
0x8: {  	s29 =	sshll.u32 s0, $0x1;
	s9 =	smul.u32 $0xA000, s0;
	[smem:$0x7FF] =	sst s3  }
0x9: {  	s4 =	sadd.s32 $0xB000, s5;
	s1 =	sor.u32 s6, s29;
	s10 =	smul.u32 $0xA0000, s6  }
0xa: {  	s31 =	sshll.u32 s0, $0x6;
	s6 =	ssub.s32 $0x2, s6;
	s8 =	smul.u32 $0x4E2, s1  }
0xb: {  	s1 =	rddreg [dreg:$0x3];
	_ =	strace $0x8000004A;
	s12 =	sshrl.u32 s9, $0x3  }
0xc: {  	s30 =	sshrl.u32 s6, $0x1;
	s14 =	sadd.s32 s9, s2;
	s10 =	sadd.s32 s9, s10  }
0xd: {  	s12 =	sadd.s32 s12, s5;
	s13 =	ssub.s32 s6, s30;
	s11 =	sadd.s32 s8, s5  }
0xe: {  	s10 =	sshrl.u32 s10, $0x3;
	s9 =	smax.u32 s13, $0x1;
	s13 =	sshrl.u32 s14, $0x3  }
0xf: {  	s14 =	simm.s32 $0x50;
	s10 =	sadd.s32 s10, s5;
	s5 =	sadd.s32 s7, s8  }
0x10: {  	s6 =	sadd.s32 $0x1200, s11;
	s7 =	sadd.s32 $0x1F000, s12;
	s11 =	simm.s32 $0x2710  }
0x11: {  	s12 =	sor.u32 $0x1C06, s31;
	s8 =	sadd.s32 $0x33000, s10;
	s10 =	simm.s32 $0x6  }
.LBB2_1:
0x12: {  	[tilespmem:s3], [sflag:$0x6] =	stream.linear.gather [hbm4b:s5+s3], $0x2710, $0x38;
	[tilespmem:$0x15220] =	vst v63  }
0x13: {  	_ =	swait.ge [sflag:s10], $0x2710  }
0x14: {  	[sflag:s10] =	ssyncset.done $0x0  }
0x15: {  	[sflag:s10] =	ssyncadd.s32 $0xFFFFD8F0  }
0x16: {  	[tilespmem:s11], [sflag:$0x6] =	stream.linear.gather [hbm4b:s6+s3], $0x2710, $0x38;
	[tilespmem:$0x15220] =	vst v63  }
0x17: {  	_ =	swait.ge [sflag:s10], $0x2710  }
0x18: {  	[sflag:s10] =	ssyncset.done $0x0  }
0x19: {  	[sflag:s10] =	ssyncadd.s32 $0xFFFFD8F0  }
0x1a: {  	[spmem:s13], [sflag:s12] =	dma.local [hbm:s7], $0x1400  }
0x1b: {  	_ =	swait.ge [sflag:s10], $0x1400  }
0x1c: {  	[sflag:s10] =	ssyncset.done $0x0  }
0x1d: {  	[sflag:s10] =	ssyncadd.s32 $0xFFFFEC00  }
0x1e: {  	s26 =	simm.s32 $0x0;
	[bflag:$0x0] =	sbarrier.arrive $0xFFFF  }
0x1f: {  	[tilespmem:s15], [sflag:$0x1] =	stream.indirect.gather [hbm4b:s4+s14], $0x40, s26, s14, $0xb8;
	[tilespmem:$0x15220] =	vst v63  }
0x20: {  	s28 =	simm.s32 $0x50  }
0x21: {  	[tilespmem:s16], [sflag:$0x2] =	stream.indirect.gather [hbm4b:s4+s14], $0x40, s28, s14, $0xb8;
	[tilespmem:$0x15220] =	vst v63  }
0x22: {  	s29 =	simm.s32 $0xA0  }
0x23: {  	[tilespmem:s17], [sflag:$0x3] =	stream.indirect.gather [hbm4b:s4+s14], $0x40, s29, s14, $0xb8;
	[tilespmem:$0x15220] =	vst v63  }
0x24: {  	s31 =	simm.s32 $0xF0  }
0x25: {  	[tilespmem:s18], [sflag:$0x4] =	stream.indirect.gather [hbm4b:s4+s14], $0x40, s31, s14, $0xb8;
	[tilespmem:$0x15220] =	vst v63  }
0x26: {  	s28 =	simm.s32 $0x140  }
0x27: {  	[tilespmem:s19], [sflag:$0x5] =	stream.indirect.gather [hbm4b:s4+s14], $0x40, s28, s14, $0xb8;
	[tilespmem:$0x15220] =	vst v63  }
0x28: {  	_ =	swait.ge [sflag:s20], $0x1400  }
0x29: {  	[sflag:s20] =	ssyncset.done $0x0  }
0x2a: {  	s29 =	simm.s32 $0x2710;
	[sflag:s20] =	ssyncadd.s32 $0xFFFFEC00  }
0x2b: {  	[spmem:s2] =	stream.indirect.scatter.add.f32 [tilespmem:s15], [sflag:$0x6], $0x40, s29, s14, $0xb8;
	[tilespmem:$0x15220] =	vst v63  }
0x2c: {  	_ =	swait.ge [sflag:s10], $0x1400  }
0x2d: {  	[sflag:s10] =	ssyncset.done $0x0  }
0x2e: {  	[sflag:s10] =	ssyncadd.s32 $0xFFFFEC00  }
0x2f: {  	_ =	swait.ge [sflag:s21], $0x1400  }
0x30: {  	[sflag:s21] =	ssyncset.done $0x0  }
0x31: {  	s31 =	simm.s32 $0x2760;
	[sflag:s21] =	ssyncadd.s32 $0xFFFFEC00  }
0x32: {  	[spmem:s2] =	stream.indirect.scatter.add.f32 [tilespmem:s16], [sflag:$0x6], $0x40, s31, s14, $0xb8;
	[tilespmem:$0x15220] =	vst v63  }
0x33: {  	_ =	swait.ge [sflag:s10], $0x1400  }
0x34: {  	[sflag:s10] =	ssyncset.done $0x0  }
0x35: {  	[sflag:s10] =	ssyncadd.s32 $0xFFFFEC00  }
0x36: {  	_ =	swait.ge [sflag:s22], $0x1400  }
0x37: {  	[sflag:s22] =	ssyncset.done $0x0  }
0x38: {  	s28 =	simm.s32 $0x27B0;
	[sflag:s22] =	ssyncadd.s32 $0xFFFFEC00  }
0x39: {  	[spmem:s2] =	stream.indirect.scatter.add.f32 [tilespmem:s17], [sflag:$0x6], $0x40, s28, s14, $0xb8;
	[tilespmem:$0x15220] =	vst v63  }
0x3a: {  	_ =	swait.ge [sflag:s10], $0x1400  }
0x3b: {  	[sflag:s10] =	ssyncset.done $0x0  }
0x3c: {  	[sflag:s10] =	ssyncadd.s32 $0xFFFFEC00  }
0x3d: {  	_ =	swait.ge [sflag:s23], $0x1400  }
0x3e: {  	[sflag:s23] =	ssyncset.done $0x0  }
0x3f: {  	s29 =	simm.s32 $0x2800;
	[sflag:s23] =	ssyncadd.s32 $0xFFFFEC00  }
0x40: {  	[spmem:s2] =	stream.indirect.scatter.add.f32 [tilespmem:s18], [sflag:$0x6], $0x40, s29, s14, $0xb8;
	[tilespmem:$0x15220] =	vst v63  }
0x41: {  	_ =	swait.ge [sflag:s10], $0x1400  }
0x42: {  	[sflag:s10] =	ssyncset.done $0x0  }
0x43: {  	[sflag:s10] =	ssyncadd.s32 $0xFFFFEC00  }
0x44: {  	_ =	swait.ge [sflag:s24], $0x1400  }
0x45: {  	[sflag:s24] =	ssyncset.done $0x0  }
0x46: {  	s31 =	simm.s32 $0x2850;
	[sflag:s24] =	ssyncadd.s32 $0xFFFFEC00  }
0x47: {  	[spmem:s2] =	stream.indirect.scatter.add.f32 [tilespmem:s19], [sflag:$0x6], $0x40, s31, s14, $0xb8;
	[tilespmem:$0x15220] =	vst v63  }
0x48: {  	_ =	swait.ge [sflag:s10], $0x1400  }
0x49: {  	s30 =	simm.s32 $0xC80;
	s26 =	simm.s32 $0x640;
	[sflag:s10] =	ssyncset.done $0x0  }
.LBB2_2:
0x4a: {  	s29 =	sshra.s32 s26, $0x2  }
0x4b: {  	[sflag:s10] =	ssyncadd.s32 $0xFFFFEC00;
	s26 =	smov.u32 s30;
	s28 =	sadd.s32 $0x640, s30  }
0x4c: {  	[tilespmem:s15], [sflag:$0x1] =	stream.indirect.gather [hbm4b:s4+s14], $0x40, s29, s14, $0xb8;
	[tilespmem:$0x15220] =	vst v63  }
0x4d: {  	p0 =	sne.s32 s30, $0x9600;
	s30 =	sadd.s32 $0x50, s29  }
0x4e: {  	[tilespmem:s16], [sflag:$0x2] =	stream.indirect.gather [hbm4b:s4+s14], $0x40, s30, s14, $0xb8;
	[tilespmem:$0x15220] =	vst v63  }
0x4f: {  	s30 =	sadd.s32 $0xA0, s29  }
0x50: {  	[tilespmem:s17], [sflag:$0x3] =	stream.indirect.gather [hbm4b:s4+s14], $0x40, s30, s14, $0xb8;
	[tilespmem:$0x15220] =	vst v63  }
0x51: {  	s30 =	sadd.s32 $0xF0, s29  }
0x52: {  	[tilespmem:s18], [sflag:$0x4] =	stream.indirect.gather [hbm4b:s4+s14], $0x40, s30, s14, $0xb8;
	[tilespmem:$0x15220] =	vst v63  }
0x53: {  	s30 =	sadd.s32 $0x140, s29  }
0x54: {  	[tilespmem:s19], [sflag:$0x5] =	stream.indirect.gather [hbm4b:s4+s14], $0x40, s30, s14, $0xb8;
	[tilespmem:$0x15220] =	vst v63  }
0x55: {  	_ =	swait.ge [sflag:s20], $0x1400  }
0x56: {  	[sflag:s20] =	ssyncset.done $0x0  }
0x57: {  	s30 =	sadd.s32 $0x2710, s29;
	[sflag:s20] =	ssyncadd.s32 $0xFFFFEC00  }
0x58: {  	[spmem:s2] =	stream.indirect.scatter.add.f32 [tilespmem:s15], [sflag:$0x6], $0x40, s30, s14, $0xb8;
	[tilespmem:$0x15220] =	vst v63  }
0x59: {  	_ =	swait.ge [sflag:s10], $0x1400  }
0x5a: {  	[sflag:s10] =	ssyncset.done $0x0  }
0x5b: {  	[sflag:s10] =	ssyncadd.s32 $0xFFFFEC00  }
0x5c: {  	_ =	swait.ge [sflag:s21], $0x1400  }
0x5d: {  	[sflag:s21] =	ssyncset.done $0x0  }
0x5e: {  	s30 =	sadd.s32 $0x2760, s29;
	[sflag:s21] =	ssyncadd.s32 $0xFFFFEC00  }
0x5f: {  	[spmem:s2] =	stream.indirect.scatter.add.f32 [tilespmem:s16], [sflag:$0x6], $0x40, s30, s14, $0xb8;
	[tilespmem:$0x15220] =	vst v63  }
0x60: {  	_ =	swait.ge [sflag:s10], $0x1400  }
0x61: {  	[sflag:s10] =	ssyncset.done $0x0  }
0x62: {  	[sflag:s10] =	ssyncadd.s32 $0xFFFFEC00  }
0x63: {  	_ =	swait.ge [sflag:s22], $0x1400  }
0x64: {  	[sflag:s22] =	ssyncset.done $0x0  }
0x65: {  	s30 =	sadd.s32 $0x27B0, s29;
	[sflag:s22] =	ssyncadd.s32 $0xFFFFEC00  }
0x66: {  	[spmem:s2] =	stream.indirect.scatter.add.f32 [tilespmem:s17], [sflag:$0x6], $0x40, s30, s14, $0xb8;
	[tilespmem:$0x15220] =	vst v63  }
0x67: {  	_ =	swait.ge [sflag:s10], $0x1400  }
0x68: {  	[sflag:s10] =	ssyncset.done $0x0  }
0x69: {  	[sflag:s10] =	ssyncadd.s32 $0xFFFFEC00  }
0x6a: {  	_ =	swait.ge [sflag:s23], $0x1400  }
0x6b: {  	[sflag:s23] =	ssyncset.done $0x0  }
0x6c: {  	s30 =	sadd.s32 $0x2800, s29;
	[sflag:s23] =	ssyncadd.s32 $0xFFFFEC00  }
0x6d: {  	[spmem:s2] =	stream.indirect.scatter.add.f32 [tilespmem:s18], [sflag:$0x6], $0x40, s30, s14, $0xb8;
	[tilespmem:$0x15220] =	vst v63  }
0x6e: {  	_ =	swait.ge [sflag:s10], $0x1400  }
0x6f: {  	[sflag:s10] =	ssyncset.done $0x0  }
0x70: {  	[sflag:s10] =	ssyncadd.s32 $0xFFFFEC00  }
0x71: {  	_ =	swait.ge [sflag:s24], $0x1400  }
.Ltmp0:
0x72: {  	[sflag:s24] =	ssyncset.done $0x0;
	(pc) =	sbr.rel @p0 .LBB2_2-.Ltmp0, $4  }
0x73: {  	s29 =	sadd.s32 $0x2850, s29;
	[sflag:s24] =	ssyncadd.s32 $0xFFFFEC00  }
0x74: {  	[spmem:s2] =	stream.indirect.scatter.add.f32 [tilespmem:s19], [sflag:$0x6], $0x40, s29, s14, $0xb8;
	[tilespmem:$0x15220] =	vst v63  }
0x75: {  	_ =	swait.ge [sflag:s10], $0x1400  }
0x76: {  	s30 =	smov.u32 s28;
	[sflag:s10] =	ssyncset.done $0x0  }
0x77: {  	s26 =	sshra.s32 s26, $0x2;
	[sflag:s10] =	ssyncadd.s32 $0xFFFFEC00  }
0x78: {  	[tilespmem:s15], [sflag:$0x1] =	stream.indirect.gather [hbm4b:s4+s14], $0x40, s26, s14, $0xb8;
	[tilespmem:$0x15220] =	vst v63  }
0x79: {  	s28 =	sadd.s32 $0x50, s26  }
0x7a: {  	[tilespmem:s16], [sflag:$0x2] =	stream.indirect.gather [hbm4b:s4+s14], $0x40, s28, s14, $0xb8;
	[tilespmem:$0x15220] =	vst v63  }
0x7b: {  	s31 =	sadd.s32 $0xA0, s26  }
0x7c: {  	[tilespmem:s17], [sflag:$0x3] =	stream.indirect.gather [hbm4b:s4+s14], $0x40, s31, s14, $0xb8;
	[tilespmem:$0x15220] =	vst v63  }
0x7d: {  	s29 =	sadd.s32 $0xF0, s26  }
0x7e: {  	[tilespmem:s18], [sflag:$0x4] =	stream.indirect.gather [hbm4b:s4+s14], $0x40, s29, s14, $0xb8;
	[tilespmem:$0x15220] =	vst v63  }
0x7f: {  	s30 =	sadd.s32 $0x140, s26  }
0x80: {  	[tilespmem:s19], [sflag:$0x5] =	stream.indirect.gather [hbm4b:s4+s14], $0x40, s30, s14, $0xb8;
	[tilespmem:$0x15220] =	vst v63  }
0x81: {  	_ =	swait.ge [sflag:s20], $0x1400  }
0x82: {  	[sflag:s20] =	ssyncset.done $0x0  }
0x83: {  	s31 =	sadd.s32 $0x2710, s26;
	[sflag:s20] =	ssyncadd.s32 $0xFFFFEC00  }
0x84: {  	[spmem:s2] =	stream.indirect.scatter.add.f32 [tilespmem:s15], [sflag:$0x6], $0x40, s31, s14, $0xb8;
	[tilespmem:$0x15220] =	vst v63  }
0x85: {  	_ =	swait.ge [sflag:s10], $0x1400  }
0x86: {  	[sflag:s10] =	ssyncset.done $0x0  }
0x87: {  	[sflag:s10] =	ssyncadd.s32 $0xFFFFEC00  }
0x88: {  	_ =	swait.ge [sflag:s21], $0x1400  }
0x89: {  	[sflag:s21] =	ssyncset.done $0x0  }
0x8a: {  	s29 =	sadd.s32 $0x2760, s26;
	[sflag:s21] =	ssyncadd.s32 $0xFFFFEC00  }
0x8b: {  	[spmem:s2] =	stream.indirect.scatter.add.f32 [tilespmem:s16], [sflag:$0x6], $0x40, s29, s14, $0xb8;
	[tilespmem:$0x15220] =	vst v63  }
0x8c: {  	_ =	swait.ge [sflag:s10], $0x1400  }
0x8d: {  	[sflag:s10] =	ssyncset.done $0x0  }
0x8e: {  	[sflag:s10] =	ssyncadd.s32 $0xFFFFEC00  }
0x8f: {  	_ =	swait.ge [sflag:s22], $0x1400  }
0x90: {  	[sflag:s22] =	ssyncset.done $0x0  }
0x91: {  	s30 =	sadd.s32 $0x27B0, s26;
	[sflag:s22] =	ssyncadd.s32 $0xFFFFEC00  }
0x92: {  	[spmem:s2] =	stream.indirect.scatter.add.f32 [tilespmem:s17], [sflag:$0x6], $0x40, s30, s14, $0xb8;
	[tilespmem:$0x15220] =	vst v63  }
0x93: {  	_ =	swait.ge [sflag:s10], $0x1400  }
0x94: {  	[sflag:s10] =	ssyncset.done $0x0  }
0x95: {  	[sflag:s10] =	ssyncadd.s32 $0xFFFFEC00  }
0x96: {  	_ =	swait.ge [sflag:s23], $0x1400  }
0x97: {  	[sflag:s23] =	ssyncset.done $0x0  }
0x98: {  	s31 =	sadd.s32 $0x2800, s26;
	[sflag:s23] =	ssyncadd.s32 $0xFFFFEC00  }
0x99: {  	[spmem:s2] =	stream.indirect.scatter.add.f32 [tilespmem:s18], [sflag:$0x6], $0x40, s31, s14, $0xb8;
	[tilespmem:$0x15220] =	vst v63  }
0x9a: {  	_ =	swait.ge [sflag:s10], $0x1400  }
0x9b: {  	[sflag:s10] =	ssyncset.done $0x0  }
0x9c: {  	[sflag:s10] =	ssyncadd.s32 $0xFFFFEC00  }
0x9d: {  	_ =	swait.ge [sflag:s24], $0x1400  }
0x9e: {  	[sflag:s24] =	ssyncset.done $0x0  }
0x9f: {  	s26 =	sadd.s32 $0x2850, s26;
	[sflag:s24] =	ssyncadd.s32 $0xFFFFEC00  }
0xa0: {  	[spmem:s2] =	stream.indirect.scatter.add.f32 [tilespmem:s19], [sflag:$0x6], $0x40, s26, s14, $0xb8;
	[tilespmem:$0x15220] =	vst v63  }
0xa1: {  	_ =	swait.ge [sflag:s10], $0x1400  }
0xa2: {  	s25 =	sadd.s32 $0x1, s25;
	[sflag:s10] =	ssyncset.done $0x0  }
0xa3: {  	p0 =	sne.s32 s25, s9;
	[sflag:s10] =	ssyncadd.s32 $0xFFFFEC00  }
.Ltmp1:
0xa4: {  	[bflag:$0x0] =	sbarrier.arrive $0xFFFF;
	(pc) =	sbr.rel @p0 .LBB2_1-.Ltmp1, $4  }
0xa5: {  	[hbm:s8], [sflag:s12] =	dma.local [spmem:s13], $0x1400  }
0xa6: {  	_ =	swait.ge [sflag:s10], $0x1400  }
0xa7: {  	[sflag:s10] =	ssyncset.done $0x0  }
0xa8: {  	[sflag:s10] =	ssyncadd.s32 $0xFFFFEC00  }
0xa9: {  	_ =	sfence.sel $0x180000  }
0xaa: {  	[bflag:$0x0] =	sbarrier.arrive $0xFFFF  }
0xab: {  	p0 =	sne.s32 s0, $0x0;
	_ =	strace $0x9000004A  }
0xac: {  	s0 =	sadd.s32 @!p0 $0x100000, s1;
	[bflag:$0x2] =	sbarrier.arrive $0xFFFF  }
0xad: {  	[sflag:s0] =	ssyncadd.tile.s32 @!p0 $0x1;
	_ =	shalt  }
.Lfunc_end2:
_tile_overlayer_lowered:
.L_overlay_start_2:
0xae: {  	(tag) =	ssettag $0x2  }
0xaf: {  	s0 =	rddreg [dreg:$0x0];
	s2 =	stileid.u32  }
0xb0: {  	s1 =	rddreg [dreg:$0x1];
	p0 =	sne.s32 s2, $0x0  }
0xb1: {  	s3 =	rddreg [dreg:$0x2];
	[bflag:$0x3] =	sbarrier.arrive $0xFFFF;
	s2 =	simm.s32 @!p0 $0x1C06  }
0xb2: {  	[timem:s3], [sflag:s2] =	dma.local @!p0 [hbm:s0], s1  }
0xb3: {  	s0 =	simm.s32 @!p0 $0x6  }
0xb4: {  	_ =	swait.ge @!p0 [sflag:s0], s1  }
0xb5: {  	s1 =	ssub.s32 @!p0 $0x0, s1;
	[sflag:s0] =	ssyncset.done @!p0 $0x0  }
0xb6: {  	[sflag:s0] =	ssyncadd.s32 @!p0 s1  }
0xb7: {  	[bflag:$0x3] =	sbarrier.arrive $0xFFFF  }
0xb8: {  	_ =	shalt  }

// kernel: kernel.15.cloned.1.call-start
scs
__scs_entry_jumppad:
0x0: {  	(pc) =	sbr.rel $0x88, $3  }
0x1: {  	(tag) =	ssettag $0x0;
	lr =	simm.s32 $0x1  }
0x2: {  	[smem:$0x3F9D] =	sst lr;
	_ =	strace $0xD0000000  }
0x3: {  	_ = 	snop  }
0x4: {  	_ = 	snop  }
0x5: {  	_ = 	snop  }
0x6: {  	_ = 	snop  }
0x7: {  	_ = 	snop  }
__scs_overlays_trampoline_lowered:
0x8: {  	[smem:$0x3FAC] =	sst s0  }
0x9: {  	[smem:$0x3FAD] =	sst s1  }
0xa: {  	[smem:$0x3FAE] =	sst s2  }
0xb: {  	[smem:$0x3FAF] =	sst s3  }
0xc: {  	[smem:$0x3FB0] =	sst s4  }
0xd: {  	[smem:$0x3FB1] =	sst s5  }
0xe: {  	[smem:$0x3FB2] =	sst s6  }
0xf: {  	[smem:$0x3FB3] =	sst s7  }
0x10: {  	[smem:$0x3FB4] =	sst s8  }
0x11: {  	[smem:$0x3FB5] =	sst s9;
	s0 =	simm.s32 @!p0 $0x0  }
0x12: {  	s1 =	sld [smem:$0x3F9B];
	s0 =	simm.s32 @p0 $0x1  }
0x13: {  	[smem:$0x3FB6] =	sst s0;
	s0 =	simm.s32 @!p1 $0x0  }
0x14: {  	s2 =	sld [smem:$0x3F9A];
	s0 =	simm.s32 @p1 $0x1  }
0x15: {  	[smem:$0x3FB7] =	sst s0;
	s0 =	simm.s32 @!p2 $0x0  }
0x16: {  	s3 =	sld [smem:$0x3FDB];
	s0 =	simm.s32 @p2 $0x1  }
0x17: {  	s4 =	simm.s32 $0x1BF5;
	[smem:$0x3FB9] =	sst s0  }
0x18: {  	s0 =	sld [smem:$0x3F9C];
	_ =	swait.ge [sflag:s4], $0x0  }
0x19: {  	s7 =	sld [smem:$0x3F9D]  }
0x1a: {  	s8 =	sadd.s32 $0xFFFFE003, lr  }
0x1b: {  	s9 =	sadd.s32 $0xFFFFFEF7, lr;
	s5 =	simm.s32 $0xFFFFFFFF;
	p2 =	slt.u32 s8, $0xFFFFF086  }
0x1c: {  	p1 =	slt.u32 s9, $0xF7A;
	s5 =	simm.s32 @!p2 $0x0  }
0x1d: {  	s5 =	simm.s32 @p1 $0x1;
	p0 =	seq.s32 s7, s2  }
0x1e: {  	s7 =	smul.u32 @!p0 $0xF7A, s2;
	p2 =	seq.s32 @!p0 s5, $0x0  }
0x1f: {  	s9 =	smul.u32 $0xF7A, s1;
	s8 =	simm.s32 @!p0 $0x1BF5;
	p2 =	por !p2, p0  }
0x20: {  	[sflag:s8] =	ssyncset.s32 @!p0 $0xFFFFF086;
	s6 =	sadd.s32 @!p0 s3, s7;
	s7 =	simm.s32 @!p0 $0x108  }
0x21: {  	s3 =	sadd.s32 s3, s9;
	s6 =	sadd.s32 @!p0 $0x88, s6;
	s7 =	simm.s32 @p2 $0x1082  }
0x22: {  	[simem:s7], [sflag:s8] =	dma.local @!p0 [hbm:s6], $0xF7A  }
0x23: {  	s9 =	sor.u32 $0xD0000000, s2;
	s6 =	simm.s32 $0x108;
	_ =	swait.ge @!p0 [sflag:s8], $0x0  }
0x24: {  	s3 =	sadd.s32 $0x88, s3;
	s6 =	simm.s32 @!p1 $0x1082;
	[sflag:s4] =	ssyncset.s32 $0xFFFFF086  }
0x25: {  	[simem:s6], [sflag:s4] =	dma.local [hbm:s3], $0xF7A  }
0x26: {  	[smem:$0x3F9D] =	sst s1;
	(tag) =	ssettag s2;
	_ =	strace s9  }
0x27: {  	s1 =	sld [smem:$0x3FAD]  }
0x28: {  	s2 =	sld [smem:$0x3FAE]  }
0x29: {  	s4 =	sld [smem:$0x3FB0]  }
0x2a: {  	p0 =	seq.s32 s5, $0x0;
	s5 =	sld [smem:$0x3FB1]  }
0x2b: {  	s6 =	sld [smem:$0x3FB2]  }
0x2c: {  	s7 =	sld [smem:$0x3FB3]  }
0x2d: {  	s3 =	simm.s32 $0x108;
	s8 =	sld [smem:$0x3FB4]  }
0x2e: {  	s3 =	simm.s32 @!p0 $0x1082;
	s9 =	sld [smem:$0x3FB5]  }
0x2f: {  	lr =	sadd.s32 s0, s3;
	s0 =	sld [smem:$0x3FAC]  }
0x30: {  	s3 =	sld [smem:$0x3FAF]  }
0x31: {  	[smem:$0x3FB8] =	sst s10  }
0x32: {  	s10 =	sld [smem:$0x3FB6];
	_ =	sdelay $0x3  }
0x33: {  	p0 =	seq.s32 s10, $0x1;
	s10 =	sld [smem:$0x3FB8];
	_ =	sdelay $0x3  }
0x34: {  	[smem:$0x3FB8] =	sst s10  }
0x35: {  	s10 =	sld [smem:$0x3FB7];
	_ =	sdelay $0x3  }
0x36: {  	p1 =	seq.s32 s10, $0x1;
	s10 =	sld [smem:$0x3FB8];
	_ =	sdelay $0x3  }
0x37: {  	[smem:$0x3FB8] =	sst s10  }
0x38: {  	s10 =	sld [smem:$0x3FB9]  }
0x39: {  	_ = 	snop;
	(pc) =	sbr.ind lr, $3  }
0x3a: {  	_ = 	snop  }
0x3b: {  	_ = 	snop  }
0x3c: {  	p2 =	seq.s32 s10, $0x1;
	s10 =	sld [smem:$0x3FB8]  }
0x3d: {  	_ =	shalt  }
0x3e: {  	_ =	shalt  }
0x3f: {  	_ =	shalt  }
0x40: {  	_ =	shalt  }
0x41: {  	_ =	shalt  }
0x42: {  	_ =	shalt  }
0x43: {  	_ =	shalt  }
0x44: {  	_ =	shalt  }
0x45: {  	_ =	shalt  }
0x46: {  	_ =	shalt  }
0x47: {  	_ =	shalt  }
0x48: {  	_ =	shalt  }
0x49: {  	_ =	shalt  }
0x4a: {  	_ =	shalt  }
0x4b: {  	_ =	shalt  }
0x4c: {  	_ =	shalt  }
0x4d: {  	_ =	shalt  }
0x4e: {  	_ =	shalt  }
0x4f: {  	_ =	shalt  }
0x50: {  	_ =	shalt  }
0x51: {  	_ =	shalt  }
0x52: {  	_ =	shalt  }
0x53: {  	_ =	shalt  }
0x54: {  	_ =	shalt  }
0x55: {  	_ =	shalt  }
0x56: {  	_ =	shalt  }
0x57: {  	_ =	shalt  }
0x58: {  	_ =	shalt  }
0x59: {  	_ =	shalt  }
0x5a: {  	_ =	shalt  }
0x5b: {  	_ =	shalt  }
0x5c: {  	_ =	shalt  }
0x5d: {  	_ =	shalt  }
0x5e: {  	_ =	shalt  }
0x5f: {  	_ =	shalt  }
0x60: {  	_ =	shalt  }
0x61: {  	_ =	shalt  }
0x62: {  	_ =	shalt  }
0x63: {  	_ =	shalt  }
0x64: {  	_ =	shalt  }
0x65: {  	_ =	shalt  }
0x66: {  	_ =	shalt  }
0x67: {  	_ =	shalt  }
0x68: {  	_ =	shalt  }
0x69: {  	_ =	shalt  }
0x6a: {  	_ =	shalt  }
0x6b: {  	_ =	shalt  }
0x6c: {  	_ =	shalt  }
0x6d: {  	_ =	shalt  }
0x6e: {  	_ =	shalt  }
0x6f: {  	_ =	shalt  }
0x70: {  	_ =	shalt  }
0x71: {  	_ =	shalt  }
0x72: {  	_ =	shalt  }
0x73: {  	_ =	shalt  }
0x74: {  	_ =	shalt  }
0x75: {  	_ =	shalt  }
0x76: {  	_ =	shalt  }
0x77: {  	_ =	shalt  }
0x78: {  	_ =	shalt  }
0x79: {  	_ =	shalt  }
0x7a: {  	_ =	shalt  }
0x7b: {  	_ =	shalt  }
0x7c: {  	_ =	shalt  }
0x7d: {  	_ =	shalt  }
0x7e: {  	_ =	shalt  }
0x7f: {  	_ =	shalt  }
0x80: {  	_ =	shalt  }
0x81: {  	_ =	shalt  }
0x82: {  	_ =	shalt  }
0x83: {  	_ =	shalt  }
0x84: {  	_ =	shalt  }
0x85: {  	_ =	shalt  }
0x86: {  	_ =	shalt  }
0x87: {  	_ =	shalt  }
.Lfunc_end0:
.L_simem_size_0:
called_computation.2_lowered:
.L_overlay_start_0:
0x88: {  	s2 =	sld [smem:$0x3FD9]  }
0x89: {  	s3 =	sld [smem:$0x3FFE];
	_ =	sdelay $0x1  }
0x8a: {  	s1 =	srdreg.scid  }
0x8b: {  	s0 =	sand.u32 $0x1, s1  }
0x8c: {  	s17 =	sshll.u32 s0, $0xA;
	s2 =	sadd.s32 s3, s2  }
0x8d: {  	s2 =	sadd.s32 s2, s17  }
0x8e: {  	[smem:$0x3FC4] =	sst s2  }
0x8f: {  	_ = 	snop  }
0x90: {  	s2 =	sld [smem:$0x3FD0];
	(tm) =	ssettm $0x1  }
0x91: {  	s18 =	sld [smem:$0x3FFB];
	_ =	sdelay $0x3  }
0x92: {  	_ =	strace s18  }
0x93: {  	s3 =	sld [smem:$0x3FFC];
	_ =	sdelay $0x3  }
0x94: {  	_ =	strace s3  }
0x95: {  	s3 =	sld [smem:$0x3FFD];
	_ =	sdelay $0x3  }
0x96: {  	_ =	strace s3  }
0x97: {  	_ =	strace $0x8FFFFFFF  }
0x98: {  	s19 =	sld [smem:$0x3FDB];
	_ =	sdelay $0x1  }
0x99: {  	s4 =	simm.s32 $_scs_section_size  }
0x9a: {  	s5 =	simm.s32 $_size__tile_overlayer_lowered;
	s6 =	simm.s32 $_tile_overlayer_lowered  }
0x9b: {  	s22 =	simm.s32 $0x1BFF;
	s21 =	sshll.u32 s6, $0x1;
	s3 =	sadd.s32 s4, s19  }
0x9c: {  	s7 =	simm.s32 $0x0;
	s20 =	sshll.u32 s5, $0x1;
	s5 =	sadd.s32 s21, s3  }
0x9d: {  	[timem:s7], [sflag:s22] =	dma.local [hbm:s5], s20  }
0x9e: {  	_ =	swait.ge [sflag:s22], s20  }
0x9f: {  	s4 =	ssub.s32 $0x0, s20;
	[sflag:s22] =	ssyncset.done $0x0  }
0xa0: {  	[sflag:s22] =	ssyncadd.s32 s4;
	_ =	sdelay $0x1  }
0xa1: {  	s23 =	simm.s32 $0x1B8B  }
0xa2: {  	_ =	swait.ge [sflag:s23], $0x1  }
0xa3: {  	[sflag:s23] =	ssyncset.done $0x0  }
0xa4: {  	s25 =	simm.s32 $0x1B8E;
	s24 =	sld [smem:$0x3FFE];
	[sflag:s23] =	ssyncadd.s32 $0xFFFFFFFF  }
0xa5: {  	s26 =	simm.s32 $execute0_lowered;
	[smem:$0x3FD2] =	sst s25  }
0xa6: {  	s5 =	sshll.u32 s26, $0x1;
	_ =	strace $0x8000004C;
	[dreg:$0x1] =	wrdreg $0xFFFFFFFF  }
0xa7: {  	s28 =	simm.s32 $_size_execute0_lowered;
	s3 =	sadd.s32 s3, s5;
	[dreg:$0x0] =	wrdreg $0x0  }
0xa8: {  	s5 =	sshll.u32 s28, $0x1;
	[dreg:$0x2] =	wrdreg s3  }
0xa9: {  	[dreg:$0x3] =	wrdreg s5  }
0xaa: {  	[dreg:$0x4] =	wrdreg $0xC0  }
0xab: {  	_ =	task [dreg:s7], $0x5FFFF  }
0xac: {  	[dreg:$0x1] =	wrdreg $0xFFFFFFFF  }
0xad: {  	[dreg:$0x0] =	wrdreg $0x60  }
0xae: {  	[dreg:$0x2] =	wrdreg s24  }
0xaf: {  	[dreg:$0x3] =	wrdreg s2  }
0xb0: {  	[dreg:$0x4] =	wrdreg $0xB2200  }
0xb1: {  	[dreg:$0x5] =	wrdreg $0x9  }
0xb2: {  	_ =	task.clear_ibuf [dreg:s7], $0x6FFFF;
	_ =	strace $0x9000004C  }
0xb3: {  	s29 =	simm.s32 $0x9;
	_ =	strace $0x8000004E  }
0xb4: {  	_ =	swait.ge [sflag:s29], $0x1  }
0xb5: {  	[sflag:s29] =	ssyncadd.s32 $0xFFFFFFFF  }
0xb6: {  	_ =	strace $0x9000004E  }
0xb7: {  	_ =	sfence  }
0xb8: {  	s30 =	sld [smem:$0x0];
	_ =	sdelay $0x2  }
0xb9: {  	s31 =	sshll.u32 s1, $0xD;
	s1 =	sshrl.u32 s1, $0x2  }
0xba: {  	s3 =	sand.u32 $0x4000, s31;
	s1 =	sadd.s32 s1, s30  }
0xbb: {  	s0 =	sor.u32 s3, s0;
	s1 =	sshll.u32 s1, $0x11  }
0xbc: {  	s0 =	sor.u32 s1, s0  }
0xbd: {  	s0 =	sadd.s32 $0x8F2B, s0  }
0xbe: {  	[sflag:s0] =	ssyncadd.remote.s32 $0x1  }
0xbf: {  	_ =	sfence.sel $0xFFFF  }
0xc0: {  	[dreg:$0x0] =	wrdreg $0xFFFFFFFF;
	(pc) =	sbr.abs _section_cstart, $3  }
0xc1: {  	[dreg:$0x1] =	wrdreg $0xFFFFFFFF  }
0xc2: {  	_ =	task.clear_ibuf [dreg:s7], $0x2FFFF;
	_ =	strace $0x9FFFFFFF  }
0xc3: {  	(tm) =	ssettm $0x7FFFFFFF  }
tec
execute0_lowered:
.L_overlay_start_1:
0x0: {  	(tag) =	ssettag $0x1  }
0x1: {  	s5 =	rddreg [dreg:$0x0]  }
0x2: {  	s1 =	srdreg.scid;
	s7 =	rddreg [dreg:$0x1]  }
0x3: {  	s0 =	stileid.u32;
	s2 =	rddreg [dreg:$0x2];
	s3 =	simm.s32 $0x0  }
0x4: {  	s15 =	simm.s32 $0x4E20;
	s16 =	simm.s32 $0x6220;
	s17 =	simm.s32 $0x7620  }
0x5: {  	s18 =	simm.s32 $0x8A20;
	s19 =	simm.s32 $0x9E20;
	s20 =	simm.s32 $0x1  }
0x6: {  	s21 =	simm.s32 $0x2;
	s22 =	simm.s32 $0x3;
	s23 =	simm.s32 $0x4  }
0x7: {  	s24 =	simm.s32 $0x5;
	s25 =	simm.s32 $0x0;
	s6 =	sand.u32 $0x1, s1  }
0x8: {  	s29 =	sshll.u32 s0, $0x1;
	s9 =	smul.u32 $0xA000, s0;
	[smem:$0x7FF] =	sst s3  }
0x9: {  	s4 =	sadd.s32 $0xB000, s5;
	s1 =	sor.u32 s6, s29;
	s10 =	smul.u32 $0xA0000, s6  }
0xa: {  	s31 =	sshll.u32 s0, $0x6;
	s6 =	ssub.s32 $0x2, s6;
	s8 =	smul.u32 $0x4E2, s1  }
0xb: {  	s1 =	rddreg [dreg:$0x3];
	_ =	strace $0x8000004D;
	s12 =	sshrl.u32 s9, $0x3  }
0xc: {  	s30 =	sshrl.u32 s6, $0x1;
	s14 =	sadd.s32 s9, s2;
	s10 =	sadd.s32 s9, s10  }
0xd: {  	s12 =	sadd.s32 s12, s5;
	s13 =	ssub.s32 s6, s30;
	s11 =	sadd.s32 s8, s5  }
0xe: {  	s10 =	sshrl.u32 s10, $0x3;
	s9 =	smax.u32 s13, $0x1;
	s13 =	sshrl.u32 s14, $0x3  }
0xf: {  	s14 =	simm.s32 $0x50;
	s10 =	sadd.s32 s10, s5;
	s5 =	sadd.s32 s7, s8  }
0x10: {  	s6 =	sadd.s32 $0x1200, s11;
	s7 =	sadd.s32 $0x1F000, s12;
	s11 =	simm.s32 $0x2710  }
0x11: {  	s12 =	sor.u32 $0x1C06, s31;
	s8 =	sadd.s32 $0x33000, s10;
	s10 =	simm.s32 $0x6  }
.LBB2_1:
0x12: {  	[tilespmem:s3], [sflag:$0x6] =	stream.linear.gather [hbm4b:s5+s3], $0x2710, $0x38;
	[tilespmem:$0x15220] =	vst v63  }
0x13: {  	_ =	swait.ge [sflag:s10], $0x2710  }
0x14: {  	[sflag:s10] =	ssyncset.done $0x0  }
0x15: {  	[sflag:s10] =	ssyncadd.s32 $0xFFFFD8F0  }
0x16: {  	[tilespmem:s11], [sflag:$0x6] =	stream.linear.gather [hbm4b:s6+s3], $0x2710, $0x38;
	[tilespmem:$0x15220] =	vst v63  }
0x17: {  	_ =	swait.ge [sflag:s10], $0x2710  }
0x18: {  	[sflag:s10] =	ssyncset.done $0x0  }
0x19: {  	[sflag:s10] =	ssyncadd.s32 $0xFFFFD8F0  }
0x1a: {  	[spmem:s13], [sflag:s12] =	dma.local [hbm:s7], $0x1400  }
0x1b: {  	_ =	swait.ge [sflag:s10], $0x1400  }
0x1c: {  	[sflag:s10] =	ssyncset.done $0x0  }
0x1d: {  	[sflag:s10] =	ssyncadd.s32 $0xFFFFEC00  }
0x1e: {  	s26 =	simm.s32 $0x0;
	[bflag:$0x0] =	sbarrier.arrive $0xFFFF  }
0x1f: {  	[tilespmem:s15], [sflag:$0x1] =	stream.indirect.gather [hbm4b:s4+s14], $0x40, s26, s14, $0xb8;
	[tilespmem:$0x15220] =	vst v63  }
0x20: {  	s28 =	simm.s32 $0x50  }
0x21: {  	[tilespmem:s16], [sflag:$0x2] =	stream.indirect.gather [hbm4b:s4+s14], $0x40, s28, s14, $0xb8;
	[tilespmem:$0x15220] =	vst v63  }
0x22: {  	s29 =	simm.s32 $0xA0  }
0x23: {  	[tilespmem:s17], [sflag:$0x3] =	stream.indirect.gather [hbm4b:s4+s14], $0x40, s29, s14, $0xb8;
	[tilespmem:$0x15220] =	vst v63  }
0x24: {  	s31 =	simm.s32 $0xF0  }
0x25: {  	[tilespmem:s18], [sflag:$0x4] =	stream.indirect.gather [hbm4b:s4+s14], $0x40, s31, s14, $0xb8;
	[tilespmem:$0x15220] =	vst v63  }
0x26: {  	s28 =	simm.s32 $0x140  }
0x27: {  	[tilespmem:s19], [sflag:$0x5] =	stream.indirect.gather [hbm4b:s4+s14], $0x40, s28, s14, $0xb8;
	[tilespmem:$0x15220] =	vst v63  }
0x28: {  	_ =	swait.ge [sflag:s20], $0x1400  }
0x29: {  	[sflag:s20] =	ssyncset.done $0x0  }
0x2a: {  	s29 =	simm.s32 $0x2710;
	[sflag:s20] =	ssyncadd.s32 $0xFFFFEC00  }
0x2b: {  	[spmem:s2] =	stream.indirect.scatter.add.f32 [tilespmem:s15], [sflag:$0x6], $0x40, s29, s14, $0xb8;
	[tilespmem:$0x15220] =	vst v63  }
0x2c: {  	_ =	swait.ge [sflag:s10], $0x1400  }
0x2d: {  	[sflag:s10] =	ssyncset.done $0x0  }
0x2e: {  	[sflag:s10] =	ssyncadd.s32 $0xFFFFEC00  }
0x2f: {  	_ =	swait.ge [sflag:s21], $0x1400  }
0x30: {  	[sflag:s21] =	ssyncset.done $0x0  }
0x31: {  	s31 =	simm.s32 $0x2760;
	[sflag:s21] =	ssyncadd.s32 $0xFFFFEC00  }
0x32: {  	[spmem:s2] =	stream.indirect.scatter.add.f32 [tilespmem:s16], [sflag:$0x6], $0x40, s31, s14, $0xb8;
	[tilespmem:$0x15220] =	vst v63  }
0x33: {  	_ =	swait.ge [sflag:s10], $0x1400  }
0x34: {  	[sflag:s10] =	ssyncset.done $0x0  }
0x35: {  	[sflag:s10] =	ssyncadd.s32 $0xFFFFEC00  }
0x36: {  	_ =	swait.ge [sflag:s22], $0x1400  }
0x37: {  	[sflag:s22] =	ssyncset.done $0x0  }
0x38: {  	s28 =	simm.s32 $0x27B0;
	[sflag:s22] =	ssyncadd.s32 $0xFFFFEC00  }
0x39: {  	[spmem:s2] =	stream.indirect.scatter.add.f32 [tilespmem:s17], [sflag:$0x6], $0x40, s28, s14, $0xb8;
	[tilespmem:$0x15220] =	vst v63  }
0x3a: {  	_ =	swait.ge [sflag:s10], $0x1400  }
0x3b: {  	[sflag:s10] =	ssyncset.done $0x0  }
0x3c: {  	[sflag:s10] =	ssyncadd.s32 $0xFFFFEC00  }
0x3d: {  	_ =	swait.ge [sflag:s23], $0x1400  }
0x3e: {  	[sflag:s23] =	ssyncset.done $0x0  }
0x3f: {  	s29 =	simm.s32 $0x2800;
	[sflag:s23] =	ssyncadd.s32 $0xFFFFEC00  }
0x40: {  	[spmem:s2] =	stream.indirect.scatter.add.f32 [tilespmem:s18], [sflag:$0x6], $0x40, s29, s14, $0xb8;
	[tilespmem:$0x15220] =	vst v63  }
0x41: {  	_ =	swait.ge [sflag:s10], $0x1400  }
0x42: {  	[sflag:s10] =	ssyncset.done $0x0  }
0x43: {  	[sflag:s10] =	ssyncadd.s32 $0xFFFFEC00  }
0x44: {  	_ =	swait.ge [sflag:s24], $0x1400  }
0x45: {  	[sflag:s24] =	ssyncset.done $0x0  }
0x46: {  	s31 =	simm.s32 $0x2850;
	[sflag:s24] =	ssyncadd.s32 $0xFFFFEC00  }
0x47: {  	[spmem:s2] =	stream.indirect.scatter.add.f32 [tilespmem:s19], [sflag:$0x6], $0x40, s31, s14, $0xb8;
	[tilespmem:$0x15220] =	vst v63  }
0x48: {  	_ =	swait.ge [sflag:s10], $0x1400  }
0x49: {  	s30 =	simm.s32 $0xC80;
	s26 =	simm.s32 $0x640;
	[sflag:s10] =	ssyncset.done $0x0  }
.LBB2_2:
0x4a: {  	s29 =	sshra.s32 s26, $0x2  }
0x4b: {  	[sflag:s10] =	ssyncadd.s32 $0xFFFFEC00;
	s26 =	smov.u32 s30;
	s28 =	sadd.s32 $0x640, s30  }
0x4c: {  	[tilespmem:s15], [sflag:$0x1] =	stream.indirect.gather [hbm4b:s4+s14], $0x40, s29, s14, $0xb8;
	[tilespmem:$0x15220] =	vst v63  }
0x4d: {  	p0 =	sne.s32 s30, $0x9600;
	s30 =	sadd.s32 $0x50, s29  }
0x4e: {  	[tilespmem:s16], [sflag:$0x2] =	stream.indirect.gather [hbm4b:s4+s14], $0x40, s30, s14, $0xb8;
	[tilespmem:$0x15220] =	vst v63  }
0x4f: {  	s30 =	sadd.s32 $0xA0, s29  }
0x50: {  	[tilespmem:s17], [sflag:$0x3] =	stream.indirect.gather [hbm4b:s4+s14], $0x40, s30, s14, $0xb8;
	[tilespmem:$0x15220] =	vst v63  }
0x51: {  	s30 =	sadd.s32 $0xF0, s29  }
0x52: {  	[tilespmem:s18], [sflag:$0x4] =	stream.indirect.gather [hbm4b:s4+s14], $0x40, s30, s14, $0xb8;
	[tilespmem:$0x15220] =	vst v63  }
0x53: {  	s30 =	sadd.s32 $0x140, s29  }
0x54: {  	[tilespmem:s19], [sflag:$0x5] =	stream.indirect.gather [hbm4b:s4+s14], $0x40, s30, s14, $0xb8;
	[tilespmem:$0x15220] =	vst v63  }
0x55: {  	_ =	swait.ge [sflag:s20], $0x1400  }
0x56: {  	[sflag:s20] =	ssyncset.done $0x0  }
0x57: {  	s30 =	sadd.s32 $0x2710, s29;
	[sflag:s20] =	ssyncadd.s32 $0xFFFFEC00  }
0x58: {  	[spmem:s2] =	stream.indirect.scatter.add.f32 [tilespmem:s15], [sflag:$0x6], $0x40, s30, s14, $0xb8;
	[tilespmem:$0x15220] =	vst v63  }
0x59: {  	_ =	swait.ge [sflag:s10], $0x1400  }
0x5a: {  	[sflag:s10] =	ssyncset.done $0x0  }
0x5b: {  	[sflag:s10] =	ssyncadd.s32 $0xFFFFEC00  }
0x5c: {  	_ =	swait.ge [sflag:s21], $0x1400  }
0x5d: {  	[sflag:s21] =	ssyncset.done $0x0  }
0x5e: {  	s30 =	sadd.s32 $0x2760, s29;
	[sflag:s21] =	ssyncadd.s32 $0xFFFFEC00  }
0x5f: {  	[spmem:s2] =	stream.indirect.scatter.add.f32 [tilespmem:s16], [sflag:$0x6], $0x40, s30, s14, $0xb8;
	[tilespmem:$0x15220] =	vst v63  }
0x60: {  	_ =	swait.ge [sflag:s10], $0x1400  }
0x61: {  	[sflag:s10] =	ssyncset.done $0x0  }
0x62: {  	[sflag:s10] =	ssyncadd.s32 $0xFFFFEC00  }
0x63: {  	_ =	swait.ge [sflag:s22], $0x1400  }
0x64: {  	[sflag:s22] =	ssyncset.done $0x0  }
0x65: {  	s30 =	sadd.s32 $0x27B0, s29;
	[sflag:s22] =	ssyncadd.s32 $0xFFFFEC00  }
0x66: {  	[spmem:s2] =	stream.indirect.scatter.add.f32 [tilespmem:s17], [sflag:$0x6], $0x40, s30, s14, $0xb8;
	[tilespmem:$0x15220] =	vst v63  }
0x67: {  	_ =	swait.ge [sflag:s10], $0x1400  }
0x68: {  	[sflag:s10] =	ssyncset.done $0x0  }
0x69: {  	[sflag:s10] =	ssyncadd.s32 $0xFFFFEC00  }
0x6a: {  	_ =	swait.ge [sflag:s23], $0x1400  }
0x6b: {  	[sflag:s23] =	ssyncset.done $0x0  }
0x6c: {  	s30 =	sadd.s32 $0x2800, s29;
	[sflag:s23] =	ssyncadd.s32 $0xFFFFEC00  }
0x6d: {  	[spmem:s2] =	stream.indirect.scatter.add.f32 [tilespmem:s18], [sflag:$0x6], $0x40, s30, s14, $0xb8;
	[tilespmem:$0x15220] =	vst v63  }
0x6e: {  	_ =	swait.ge [sflag:s10], $0x1400  }
0x6f: {  	[sflag:s10] =	ssyncset.done $0x0  }
0x70: {  	[sflag:s10] =	ssyncadd.s32 $0xFFFFEC00  }
0x71: {  	_ =	swait.ge [sflag:s24], $0x1400  }
.Ltmp0:
0x72: {  	[sflag:s24] =	ssyncset.done $0x0;
	(pc) =	sbr.rel @p0 .LBB2_2-.Ltmp0, $4  }
0x73: {  	s29 =	sadd.s32 $0x2850, s29;
	[sflag:s24] =	ssyncadd.s32 $0xFFFFEC00  }
0x74: {  	[spmem:s2] =	stream.indirect.scatter.add.f32 [tilespmem:s19], [sflag:$0x6], $0x40, s29, s14, $0xb8;
	[tilespmem:$0x15220] =	vst v63  }
0x75: {  	_ =	swait.ge [sflag:s10], $0x1400  }
0x76: {  	s30 =	smov.u32 s28;
	[sflag:s10] =	ssyncset.done $0x0  }
0x77: {  	s26 =	sshra.s32 s26, $0x2;
	[sflag:s10] =	ssyncadd.s32 $0xFFFFEC00  }
0x78: {  	[tilespmem:s15], [sflag:$0x1] =	stream.indirect.gather [hbm4b:s4+s14], $0x40, s26, s14, $0xb8;
	[tilespmem:$0x15220] =	vst v63  }
0x79: {  	s28 =	sadd.s32 $0x50, s26  }
0x7a: {  	[tilespmem:s16], [sflag:$0x2] =	stream.indirect.gather [hbm4b:s4+s14], $0x40, s28, s14, $0xb8;
	[tilespmem:$0x15220] =	vst v63  }
0x7b: {  	s31 =	sadd.s32 $0xA0, s26  }
0x7c: {  	[tilespmem:s17], [sflag:$0x3] =	stream.indirect.gather [hbm4b:s4+s14], $0x40, s31, s14, $0xb8;
	[tilespmem:$0x15220] =	vst v63  }
0x7d: {  	s29 =	sadd.s32 $0xF0, s26  }
0x7e: {  	[tilespmem:s18], [sflag:$0x4] =	stream.indirect.gather [hbm4b:s4+s14], $0x40, s29, s14, $0xb8;
	[tilespmem:$0x15220] =	vst v63  }
0x7f: {  	s30 =	sadd.s32 $0x140, s26  }
0x80: {  	[tilespmem:s19], [sflag:$0x5] =	stream.indirect.gather [hbm4b:s4+s14], $0x40, s30, s14, $0xb8;
	[tilespmem:$0x15220] =	vst v63  }
0x81: {  	_ =	swait.ge [sflag:s20], $0x1400  }
0x82: {  	[sflag:s20] =	ssyncset.done $0x0  }
0x83: {  	s31 =	sadd.s32 $0x2710, s26;
	[sflag:s20] =	ssyncadd.s32 $0xFFFFEC00  }
0x84: {  	[spmem:s2] =	stream.indirect.scatter.add.f32 [tilespmem:s15], [sflag:$0x6], $0x40, s31, s14, $0xb8;
	[tilespmem:$0x15220] =	vst v63  }
0x85: {  	_ =	swait.ge [sflag:s10], $0x1400  }
0x86: {  	[sflag:s10] =	ssyncset.done $0x0  }
0x87: {  	[sflag:s10] =	ssyncadd.s32 $0xFFFFEC00  }
0x88: {  	_ =	swait.ge [sflag:s21], $0x1400  }
0x89: {  	[sflag:s21] =	ssyncset.done $0x0  }
0x8a: {  	s29 =	sadd.s32 $0x2760, s26;
	[sflag:s21] =	ssyncadd.s32 $0xFFFFEC00  }
0x8b: {  	[spmem:s2] =	stream.indirect.scatter.add.f32 [tilespmem:s16], [sflag:$0x6], $0x40, s29, s14, $0xb8;
	[tilespmem:$0x15220] =	vst v63  }
0x8c: {  	_ =	swait.ge [sflag:s10], $0x1400  }
0x8d: {  	[sflag:s10] =	ssyncset.done $0x0  }
0x8e: {  	[sflag:s10] =	ssyncadd.s32 $0xFFFFEC00  }
0x8f: {  	_ =	swait.ge [sflag:s22], $0x1400  }
0x90: {  	[sflag:s22] =	ssyncset.done $0x0  }
0x91: {  	s30 =	sadd.s32 $0x27B0, s26;
	[sflag:s22] =	ssyncadd.s32 $0xFFFFEC00  }
0x92: {  	[spmem:s2] =	stream.indirect.scatter.add.f32 [tilespmem:s17], [sflag:$0x6], $0x40, s30, s14, $0xb8;
	[tilespmem:$0x15220] =	vst v63  }
0x93: {  	_ =	swait.ge [sflag:s10], $0x1400  }
0x94: {  	[sflag:s10] =	ssyncset.done $0x0  }
0x95: {  	[sflag:s10] =	ssyncadd.s32 $0xFFFFEC00  }
0x96: {  	_ =	swait.ge [sflag:s23], $0x1400  }
0x97: {  	[sflag:s23] =	ssyncset.done $0x0  }
0x98: {  	s31 =	sadd.s32 $0x2800, s26;
	[sflag:s23] =	ssyncadd.s32 $0xFFFFEC00  }
0x99: {  	[spmem:s2] =	stream.indirect.scatter.add.f32 [tilespmem:s18], [sflag:$0x6], $0x40, s31, s14, $0xb8;
	[tilespmem:$0x15220] =	vst v63  }
0x9a: {  	_ =	swait.ge [sflag:s10], $0x1400  }
0x9b: {  	[sflag:s10] =	ssyncset.done $0x0  }
0x9c: {  	[sflag:s10] =	ssyncadd.s32 $0xFFFFEC00  }
0x9d: {  	_ =	swait.ge [sflag:s24], $0x1400  }
0x9e: {  	[sflag:s24] =	ssyncset.done $0x0  }
0x9f: {  	s26 =	sadd.s32 $0x2850, s26;
	[sflag:s24] =	ssyncadd.s32 $0xFFFFEC00  }
0xa0: {  	[spmem:s2] =	stream.indirect.scatter.add.f32 [tilespmem:s19], [sflag:$0x6], $0x40, s26, s14, $0xb8;
	[tilespmem:$0x15220] =	vst v63  }
0xa1: {  	_ =	swait.ge [sflag:s10], $0x1400  }
0xa2: {  	s25 =	sadd.s32 $0x1, s25;
	[sflag:s10] =	ssyncset.done $0x0  }
0xa3: {  	p0 =	sne.s32 s25, s9;
	[sflag:s10] =	ssyncadd.s32 $0xFFFFEC00  }
.Ltmp1:
0xa4: {  	[bflag:$0x0] =	sbarrier.arrive $0xFFFF;
	(pc) =	sbr.rel @p0 .LBB2_1-.Ltmp1, $4  }
0xa5: {  	[hbm:s8], [sflag:s12] =	dma.local [spmem:s13], $0x1400  }
0xa6: {  	_ =	swait.ge [sflag:s10], $0x1400  }
0xa7: {  	[sflag:s10] =	ssyncset.done $0x0  }
0xa8: {  	[sflag:s10] =	ssyncadd.s32 $0xFFFFEC00  }
0xa9: {  	_ =	sfence.sel $0x180000  }
0xaa: {  	[bflag:$0x0] =	sbarrier.arrive $0xFFFF  }
0xab: {  	p0 =	sne.s32 s0, $0x0;
	_ =	strace $0x9000004D  }
0xac: {  	s0 =	sadd.s32 @!p0 $0x100000, s1;
	[bflag:$0x2] =	sbarrier.arrive $0xFFFF  }
0xad: {  	[sflag:s0] =	ssyncadd.tile.s32 @!p0 $0x1;
	_ =	shalt  }
.Lfunc_end2:
_tile_overlayer_lowered:
.L_overlay_start_2:
0xae: {  	(tag) =	ssettag $0x2  }
0xaf: {  	s0 =	rddreg [dreg:$0x0];
	s2 =	stileid.u32  }
0xb0: {  	s1 =	rddreg [dreg:$0x1];
	p0 =	sne.s32 s2, $0x0  }
0xb1: {  	s3 =	rddreg [dreg:$0x2];
	[bflag:$0x3] =	sbarrier.arrive $0xFFFF;
	s2 =	simm.s32 @!p0 $0x1C06  }
0xb2: {  	[timem:s3], [sflag:s2] =	dma.local @!p0 [hbm:s0], s1  }
0xb3: {  	s0 =	simm.s32 @!p0 $0x6  }
0xb4: {  	_ =	swait.ge @!p0 [sflag:s0], s1  }
0xb5: {  	s1 =	ssub.s32 @!p0 $0x0, s1;
	[sflag:s0] =	ssyncset.done @!p0 $0x0  }
0xb6: {  	[sflag:s0] =	ssyncadd.s32 @!p0 s1  }
0xb7: {  	[bflag:$0x3] =	sbarrier.arrive $0xFFFF  }
0xb8: {  	_ =	shalt  }

// kernel: kernel.9.cloned.1.call-start
scs
__scs_entry_jumppad:
0x0: {  	(pc) =	sbr.rel $0x88, $3  }
0x1: {  	(tag) =	ssettag $0x0;
	lr =	simm.s32 $0x1  }
0x2: {  	[smem:$0x3F9D] =	sst lr;
	_ =	strace $0xD0000000  }
0x3: {  	_ = 	snop  }
0x4: {  	_ = 	snop  }
0x5: {  	_ = 	snop  }
0x6: {  	_ = 	snop  }
0x7: {  	_ = 	snop  }
__scs_overlays_trampoline_lowered:
0x8: {  	[smem:$0x3FAC] =	sst s0  }
0x9: {  	[smem:$0x3FAD] =	sst s1  }
0xa: {  	[smem:$0x3FAE] =	sst s2  }
0xb: {  	[smem:$0x3FAF] =	sst s3  }
0xc: {  	[smem:$0x3FB0] =	sst s4  }
0xd: {  	[smem:$0x3FB1] =	sst s5  }
0xe: {  	[smem:$0x3FB2] =	sst s6  }
0xf: {  	[smem:$0x3FB3] =	sst s7  }
0x10: {  	[smem:$0x3FB4] =	sst s8  }
0x11: {  	[smem:$0x3FB5] =	sst s9;
	s0 =	simm.s32 @!p0 $0x0  }
0x12: {  	s1 =	sld [smem:$0x3F9B];
	s0 =	simm.s32 @p0 $0x1  }
0x13: {  	[smem:$0x3FB6] =	sst s0;
	s0 =	simm.s32 @!p1 $0x0  }
0x14: {  	s2 =	sld [smem:$0x3F9A];
	s0 =	simm.s32 @p1 $0x1  }
0x15: {  	[smem:$0x3FB7] =	sst s0;
	s0 =	simm.s32 @!p2 $0x0  }
0x16: {  	s3 =	sld [smem:$0x3FDB];
	s0 =	simm.s32 @p2 $0x1  }
0x17: {  	s4 =	simm.s32 $0x1BF5;
	[smem:$0x3FB9] =	sst s0  }
0x18: {  	s0 =	sld [smem:$0x3F9C];
	_ =	swait.ge [sflag:s4], $0x0  }
0x19: {  	s7 =	sld [smem:$0x3F9D]  }
0x1a: {  	s8 =	sadd.s32 $0xFFFFE003, lr  }
0x1b: {  	s9 =	sadd.s32 $0xFFFFFEF7, lr;
	s5 =	simm.s32 $0xFFFFFFFF;
	p2 =	slt.u32 s8, $0xFFFFF086  }
0x1c: {  	p1 =	slt.u32 s9, $0xF7A;
	s5 =	simm.s32 @!p2 $0x0  }
0x1d: {  	s5 =	simm.s32 @p1 $0x1;
	p0 =	seq.s32 s7, s2  }
0x1e: {  	s7 =	smul.u32 @!p0 $0xF7A, s2;
	p2 =	seq.s32 @!p0 s5, $0x0  }
0x1f: {  	s9 =	smul.u32 $0xF7A, s1;
	s8 =	simm.s32 @!p0 $0x1BF5;
	p2 =	por !p2, p0  }
0x20: {  	[sflag:s8] =	ssyncset.s32 @!p0 $0xFFFFF086;
	s6 =	sadd.s32 @!p0 s3, s7;
	s7 =	simm.s32 @!p0 $0x108  }
0x21: {  	s3 =	sadd.s32 s3, s9;
	s6 =	sadd.s32 @!p0 $0x88, s6;
	s7 =	simm.s32 @p2 $0x1082  }
0x22: {  	[simem:s7], [sflag:s8] =	dma.local @!p0 [hbm:s6], $0xF7A  }
0x23: {  	s9 =	sor.u32 $0xD0000000, s2;
	s6 =	simm.s32 $0x108;
	_ =	swait.ge @!p0 [sflag:s8], $0x0  }
0x24: {  	s3 =	sadd.s32 $0x88, s3;
	s6 =	simm.s32 @!p1 $0x1082;
	[sflag:s4] =	ssyncset.s32 $0xFFFFF086  }
0x25: {  	[simem:s6], [sflag:s4] =	dma.local [hbm:s3], $0xF7A  }
0x26: {  	[smem:$0x3F9D] =	sst s1;
	(tag) =	ssettag s2;
	_ =	strace s9  }
0x27: {  	s1 =	sld [smem:$0x3FAD]  }
0x28: {  	s2 =	sld [smem:$0x3FAE]  }
0x29: {  	s4 =	sld [smem:$0x3FB0]  }
0x2a: {  	p0 =	seq.s32 s5, $0x0;
	s5 =	sld [smem:$0x3FB1]  }
0x2b: {  	s6 =	sld [smem:$0x3FB2]  }
0x2c: {  	s7 =	sld [smem:$0x3FB3]  }
0x2d: {  	s3 =	simm.s32 $0x108;
	s8 =	sld [smem:$0x3FB4]  }
0x2e: {  	s3 =	simm.s32 @!p0 $0x1082;
	s9 =	sld [smem:$0x3FB5]  }
0x2f: {  	lr =	sadd.s32 s0, s3;
	s0 =	sld [smem:$0x3FAC]  }
0x30: {  	s3 =	sld [smem:$0x3FAF]  }
0x31: {  	[smem:$0x3FB8] =	sst s10  }
0x32: {  	s10 =	sld [smem:$0x3FB6];
	_ =	sdelay $0x3  }
0x33: {  	p0 =	seq.s32 s10, $0x1;
	s10 =	sld [smem:$0x3FB8];
	_ =	sdelay $0x3  }
0x34: {  	[smem:$0x3FB8] =	sst s10  }
0x35: {  	s10 =	sld [smem:$0x3FB7];
	_ =	sdelay $0x3  }
0x36: {  	p1 =	seq.s32 s10, $0x1;
	s10 =	sld [smem:$0x3FB8];
	_ =	sdelay $0x3  }
0x37: {  	[smem:$0x3FB8] =	sst s10  }
0x38: {  	s10 =	sld [smem:$0x3FB9]  }
0x39: {  	_ = 	snop;
	(pc) =	sbr.ind lr, $3  }
0x3a: {  	_ = 	snop  }
0x3b: {  	_ = 	snop  }
0x3c: {  	p2 =	seq.s32 s10, $0x1;
	s10 =	sld [smem:$0x3FB8]  }
0x3d: {  	_ =	shalt  }
0x3e: {  	_ =	shalt  }
0x3f: {  	_ =	shalt  }
0x40: {  	_ =	shalt  }
0x41: {  	_ =	shalt  }
0x42: {  	_ =	shalt  }
0x43: {  	_ =	shalt  }
0x44: {  	_ =	shalt  }
0x45: {  	_ =	shalt  }
0x46: {  	_ =	shalt  }
0x47: {  	_ =	shalt  }
0x48: {  	_ =	shalt  }
0x49: {  	_ =	shalt  }
0x4a: {  	_ =	shalt  }
0x4b: {  	_ =	shalt  }
0x4c: {  	_ =	shalt  }
0x4d: {  	_ =	shalt  }
0x4e: {  	_ =	shalt  }
0x4f: {  	_ =	shalt  }
0x50: {  	_ =	shalt  }
0x51: {  	_ =	shalt  }
0x52: {  	_ =	shalt  }
0x53: {  	_ =	shalt  }
0x54: {  	_ =	shalt  }
0x55: {  	_ =	shalt  }
0x56: {  	_ =	shalt  }
0x57: {  	_ =	shalt  }
0x58: {  	_ =	shalt  }
0x59: {  	_ =	shalt  }
0x5a: {  	_ =	shalt  }
0x5b: {  	_ =	shalt  }
0x5c: {  	_ =	shalt  }
0x5d: {  	_ =	shalt  }
0x5e: {  	_ =	shalt  }
0x5f: {  	_ =	shalt  }
0x60: {  	_ =	shalt  }
0x61: {  	_ =	shalt  }
0x62: {  	_ =	shalt  }
0x63: {  	_ =	shalt  }
0x64: {  	_ =	shalt  }
0x65: {  	_ =	shalt  }
0x66: {  	_ =	shalt  }
0x67: {  	_ =	shalt  }
0x68: {  	_ =	shalt  }
0x69: {  	_ =	shalt  }
0x6a: {  	_ =	shalt  }
0x6b: {  	_ =	shalt  }
0x6c: {  	_ =	shalt  }
0x6d: {  	_ =	shalt  }
0x6e: {  	_ =	shalt  }
0x6f: {  	_ =	shalt  }
0x70: {  	_ =	shalt  }
0x71: {  	_ =	shalt  }
0x72: {  	_ =	shalt  }
0x73: {  	_ =	shalt  }
0x74: {  	_ =	shalt  }
0x75: {  	_ =	shalt  }
0x76: {  	_ =	shalt  }
0x77: {  	_ =	shalt  }
0x78: {  	_ =	shalt  }
0x79: {  	_ =	shalt  }
0x7a: {  	_ =	shalt  }
0x7b: {  	_ =	shalt  }
0x7c: {  	_ =	shalt  }
0x7d: {  	_ =	shalt  }
0x7e: {  	_ =	shalt  }
0x7f: {  	_ =	shalt  }
0x80: {  	_ =	shalt  }
0x81: {  	_ =	shalt  }
0x82: {  	_ =	shalt  }
0x83: {  	_ =	shalt  }
0x84: {  	_ =	shalt  }
0x85: {  	_ =	shalt  }
0x86: {  	_ =	shalt  }
0x87: {  	_ =	shalt  }
.Lfunc_end0:
.L_simem_size_0:
called_computation_lowered:
.L_overlay_start_0:
0x88: {  	s2 =	sld [smem:$0x3FD9]  }
0x89: {  	s3 =	sld [smem:$0x3FFE];
	_ =	sdelay $0x1  }
0x8a: {  	s1 =	srdreg.scid  }
0x8b: {  	s0 =	sand.u32 $0x1, s1  }
0x8c: {  	s16 =	sshll.u32 s0, $0xA;
	s2 =	sadd.s32 s3, s2  }
0x8d: {  	s2 =	sadd.s32 s2, s16  }
0x8e: {  	[smem:$0x3FC4] =	sst s2  }
0x8f: {  	_ = 	snop  }
0x90: {  	(tm) =	ssettm $0x1  }
0x91: {  	s17 =	sld [smem:$0x3FFB];
	_ =	sdelay $0x3  }
0x92: {  	_ =	strace s17  }
0x93: {  	s2 =	sld [smem:$0x3FFC];
	_ =	sdelay $0x3  }
0x94: {  	_ =	strace s2  }
0x95: {  	s2 =	sld [smem:$0x3FFD];
	_ =	sdelay $0x3  }
0x96: {  	_ =	strace s2  }
0x97: {  	_ =	strace $0x8FFFFFFF  }
0x98: {  	s18 =	sld [smem:$0x3FDB];
	_ =	sdelay $0x1  }
0x99: {  	s19 =	simm.s32 $_scs_section_size  }
0x9a: {  	s4 =	simm.s32 $_size__tile_overlayer_lowered;
	s5 =	simm.s32 $_tile_overlayer_lowered  }
0x9b: {  	s22 =	simm.s32 $0x1BFF;
	s21 =	sshll.u32 s5, $0x1;
	s2 =	sadd.s32 s19, s18  }
0x9c: {  	s6 =	simm.s32 $0x0;
	s20 =	sshll.u32 s4, $0x1;
	s4 =	sadd.s32 s21, s2  }
0x9d: {  	[timem:s6], [sflag:s22] =	dma.local [hbm:s4], s20  }
0x9e: {  	_ =	swait.ge [sflag:s22], s20  }
0x9f: {  	s3 =	ssub.s32 $0x0, s20;
	[sflag:s22] =	ssyncset.done $0x0  }
0xa0: {  	[sflag:s22] =	ssyncadd.s32 s3;
	_ =	sdelay $0x1  }
0xa1: {  	s23 =	simm.s32 $0x1B8B  }
0xa2: {  	_ =	swait.ge [sflag:s23], $0x1  }
0xa3: {  	[sflag:s23] =	ssyncset.done $0x0  }
0xa4: {  	s25 =	simm.s32 $0x1B8E;
	s24 =	sld [smem:$0x3FFE];
	[sflag:s23] =	ssyncadd.s32 $0xFFFFFFFF  }
0xa5: {  	s26 =	simm.s32 $execute0_lowered;
	[smem:$0x3FD2] =	sst s25  }
0xa6: {  	s4 =	sshll.u32 s26, $0x1;
	_ =	strace $0x80000046;
	[dreg:$0x1] =	wrdreg $0xFFFFFFFF  }
0xa7: {  	s28 =	simm.s32 $_size_execute0_lowered;
	s2 =	sadd.s32 s2, s4;
	[dreg:$0x0] =	wrdreg $0x0  }
0xa8: {  	s4 =	sshll.u32 s28, $0x1;
	[dreg:$0x2] =	wrdreg s2  }
0xa9: {  	[dreg:$0x3] =	wrdreg s4  }
0xaa: {  	[dreg:$0x4] =	wrdreg $0xC0  }
0xab: {  	_ =	task [dreg:s6], $0x5FFFF  }
0xac: {  	[dreg:$0x1] =	wrdreg $0xFFFFFFFF  }
0xad: {  	[dreg:$0x0] =	wrdreg $0x60  }
0xae: {  	[dreg:$0x2] =	wrdreg s24  }
0xaf: {  	[dreg:$0x3] =	wrdreg $0x27600  }
0xb0: {  	[dreg:$0x4] =	wrdreg $0x9  }
0xb1: {  	_ =	task.clear_ibuf [dreg:s6], $0x5FFFF;
	_ =	strace $0x90000046  }
0xb2: {  	s29 =	simm.s32 $0x9;
	_ =	strace $0x80000048  }
0xb3: {  	_ =	swait.ge [sflag:s29], $0x1  }
0xb4: {  	[sflag:s29] =	ssyncadd.s32 $0xFFFFFFFF  }
0xb5: {  	_ =	strace $0x90000048  }
0xb6: {  	_ =	sfence  }
0xb7: {  	s30 =	sld [smem:$0x0];
	_ =	sdelay $0x2  }
0xb8: {  	s31 =	sshll.u32 s1, $0xD;
	s1 =	sshrl.u32 s1, $0x2  }
0xb9: {  	s3 =	sand.u32 $0x4000, s31;
	s1 =	sadd.s32 s1, s30  }
0xba: {  	s0 =	sor.u32 s3, s0;
	s1 =	sshll.u32 s1, $0x11  }
0xbb: {  	s0 =	sor.u32 s1, s0  }
0xbc: {  	s0 =	sadd.s32 $0x8F2B, s0  }
0xbd: {  	[sflag:s0] =	ssyncadd.remote.s32 $0x1  }
0xbe: {  	_ =	sfence.sel $0xFFFF  }
0xbf: {  	[dreg:$0x0] =	wrdreg $0xFFFFFFFF;
	(pc) =	sbr.abs _section_cstart, $3  }
0xc0: {  	[dreg:$0x1] =	wrdreg $0xFFFFFFFF  }
0xc1: {  	_ =	task.clear_ibuf [dreg:s6], $0x2FFFF;
	_ =	strace $0x9FFFFFFF  }
0xc2: {  	(tm) =	ssettm $0x7FFFFFFF  }
0xc3: {  	_ =	shalt  }
tec
execute0_lowered:
.L_overlay_start_1:
0x0: {  	(tag) =	ssettag $0x1  }
0x1: {  	s1 =	srdreg.scid;
	s5 =	rddreg [dreg:$0x0]  }
0x2: {  	s0 =	stileid.u32;
	s2 =	rddreg [dreg:$0x1];
	s3 =	simm.s32 $0x0  }
0x3: {  	s12 =	simm.s32 $0x2710;
	s13 =	simm.s32 $0x0;
	s4 =	sand.u32 $0x1, s1  }
0x4: {  	s30 =	sshll.u32 s0, $0x1;
	s7 =	smul.u32 $0x280, s0;
	[smem:$0x7FF] =	sst s3  }
0x5: {  	s31 =	sshll.u32 s0, $0x6;
	s1 =	sor.u32 s4, s30;
	s8 =	smul.u32 $0x2800, s4  }
0x6: {  	s4 =	ssub.s32 $0x2, s4;
	s6 =	smul.u32 $0x4E2, s1;
	s1 =	rddreg [dreg:$0x2]  }
0x7: {  	_ =	strace $0x80000047;
	s9 =	sshrl.u32 s7, $0x3;
	s10 =	sshrl.u32 s4, $0x1  }
0x8: {  	s11 =	sadd.s32 s7, s2;
	s8 =	sadd.s32 s7, s8;
	s9 =	sadd.s32 s9, s5  }
0x9: {  	s10 =	ssub.s32 s4, s10;
	s6 =	sadd.s32 s6, s5;
	s8 =	sshrl.u32 s8, $0x3  }
0xa: {  	s7 =	smax.u32 s10, $0x1;
	s10 =	sshrl.u32 s11, $0x3;
	s11 =	simm.s32 $0x50  }
0xb: {  	s8 =	sadd.s32 s8, s5;
	s4 =	sadd.s32 $0x1200, s6;
	s5 =	sadd.s32 $0xB000, s9  }
0xc: {  	v0 =	vimm.f32 $1.000000000e+00;
	s9 =	sor.u32 $0x1C01, s31;
	s6 =	sadd.s32 $0xB600, s8;
	s8 =	simm.s32 $0x1  }
.LBB2_1:
0xd: {  	[tilespmem:$0x2710] =	vst v0  }
0xe: {  	[tilespmem:$0x2720] =	vst v0  }
0xf: {  	[tilespmem:$0x2730] =	vst v0  }
0x10: {  	[tilespmem:$0x2740] =	vst v0  }
0x11: {  	[tilespmem:$0x2750] =	vst v0  }
0x12: {  	[tilespmem:s3], [sflag:$0x1] =	stream.linear.gather [hbm4b:s4+s3], $0x2710, $0x38;
	[tilespmem:$0x29E0] =	vst v63  }
0x13: {  	_ =	swait.ge [sflag:s8], $0x2710  }
0x14: {  	[sflag:s8] =	ssyncset.done $0x0  }
0x15: {  	[sflag:s8] =	ssyncadd.s32 $0xFFFFD8F0  }
0x16: {  	[spmem:s10], [sflag:s9] =	dma.local [hbm:s5], $0x50  }
0x17: {  	_ =	swait.ge [sflag:s8], $0x50  }
0x18: {  	[sflag:s8] =	ssyncset.done $0x0  }
0x19: {  	[sflag:s8] =	ssyncadd.s32 $0xFFFFFFB0  }
0x1a: {  	s14 =	simm.s32 $0x0;
	[bflag:$0x0] =	sbarrier.arrive $0xFFFF  }
0x1b: {  	[spmem:s2] =	stream.indirect.scatter.add.f32 [tilespmem:s12], [sflag:$0x1], $0x1, s14, s11, $0xb8;
	[tilespmem:$0x29E0] =	vst v63  }
0x1c: {  	_ =	swait.ge [sflag:s8], $0x50  }
0x1d: {  	s14 =	simm.s32 $0x140;
	[sflag:s8] =	ssyncset.done $0x0  }
.LBB2_2:
0x1e: {  	s15 =	sshra.s32 s14, $0x2;
	[sflag:s8] =	ssyncadd.s32 $0xFFFFFFB0;
	p0 =	sne.s32 s14, $0x9B00  }
0x1f: {  	[spmem:s2] =	stream.indirect.scatter.add.f32 [tilespmem:s12], [sflag:$0x1], $0x1, s15, s11, $0xb8;
	[tilespmem:$0x29E0] =	vst v63  }
.Ltmp0:
0x20: {  	_ = 	snop;
	(pc) =	sbr.rel @p0 .LBB2_2-.Ltmp0, $4  }
0x21: {  	_ = 	snop  }
0x22: {  	s14 =	sadd.s32 $0x140, s14  }
0x23: {  	_ =	swait.ge [sflag:s8], $0x50  }
0x24: {  	[sflag:s8] =	ssyncset.done $0x0  }
0x25: {  	s13 =	sadd.s32 $0x1, s13  }
0x26: {  	[sflag:s8] =	ssyncadd.s32 $0xFFFFFFB0;
	p0 =	sne.s32 s13, s7  }
.Ltmp1:
0x27: {  	[bflag:$0x0] =	sbarrier.arrive $0xFFFF;
	(pc) =	sbr.rel @p0 .LBB2_1-.Ltmp1, $4  }
0x28: {  	[hbm:s6], [sflag:s9] =	dma.local [spmem:s10], $0x50  }
0x29: {  	_ =	swait.ge [sflag:s8], $0x50  }
0x2a: {  	[sflag:s8] =	ssyncset.done $0x0  }
0x2b: {  	[sflag:s8] =	ssyncadd.s32 $0xFFFFFFB0  }
0x2c: {  	_ =	sfence.sel $0x180000  }
0x2d: {  	[bflag:$0x0] =	sbarrier.arrive $0xFFFF  }
0x2e: {  	p0 =	sne.s32 s0, $0x0;
	_ =	strace $0x90000047  }
0x2f: {  	s0 =	sadd.s32 @!p0 $0x100000, s1;
	[bflag:$0x2] =	sbarrier.arrive $0xFFFF  }
0x30: {  	[sflag:s0] =	ssyncadd.tile.s32 @!p0 $0x1;
	_ =	shalt  }
.Lfunc_end2:
_tile_overlayer_lowered:
.L_overlay_start_2:
0x31: {  	(tag) =	ssettag $0x2  }
0x32: {  	s0 =	rddreg [dreg:$0x0];
	s2 =	stileid.u32  }
0x33: {  	s1 =	rddreg [dreg:$0x1];
	p0 =	sne.s32 s2, $0x0  }
0x34: {  	s3 =	rddreg [dreg:$0x2];
	[bflag:$0x3] =	sbarrier.arrive $0xFFFF;
	s2 =	simm.s32 @!p0 $0x1C01  }
0x35: {  	[timem:s3], [sflag:s2] =	dma.local @!p0 [hbm:s0], s1  }
0x36: {  	s0 =	simm.s32 @!p0 $0x1  }
0x37: {  	_ =	swait.ge @!p0 [sflag:s0], s1  }
0x38: {  	s1 =	ssub.s32 @!p0 $0x0, s1;
	[sflag:s0] =	ssyncset.done @!p0 $0x0  }
0x39: {  	[sflag:s0] =	ssyncadd.s32 @!p0 s1  }
0x3a: {  	[bflag:$0x3] =	sbarrier.arrive $0xFFFF  }
0x3b: {  	_ =	shalt  }

</sc_bundles>
